<compile_context>
chip_gen: v7x
topology: tpu7x:2x2x1
jax: 0.10.2.dev20260603
libtpu: 0.0.44.dev20260713+nightly
codegen_flags: <defaults>
</compile_context>

<pallas_src>
import functools

import jax
import jax.numpy as jnp
from jax import lax
from jax.experimental import pallas as pl
from jax.experimental.pallas import tpu as pltpu
from jax.experimental.pallas import tpu_sc as plsc

N = 10000
E = 320000
D = 128

NC = 2
NS = 16
C = 100
CD = 125

CH_P = E // (NS * C)
IB = 25
NB = CH_P // IB
CH_D = E // (NC * NS * CD)
ROWS_T = 640
N_PAD = NS * ROWS_T
WD = 128

RB = 1024
NBLK = N_PAD // RB



@functools.cache
def _sc_mesh():
    return plsc.VectorSubcoreMesh(core_axis_name="c", subcore_axis_name="s",
                                  num_cores=NC, num_subcores=NS)


_DGRP = 8


def _deg_body(dst_hbm, ones_hbm, zeros_hbm, out_hbm, dst_v, ones_v, acc, sem):
    c = lax.axis_index("c")
    s = lax.axis_index("s")
    row0 = s * ROWS_T
    pltpu.sync_copy(zeros_hbm.at[s], acc.at[pl.ds(row0, ROWS_T)])
    pltpu.sync_copy(ones_hbm, ones_v)
    pltpu.sync_copy(dst_hbm.at[c].at[s], dst_v)
    plsc.subcore_barrier()

    def group(g, carry):
        j0 = g * _DGRP
        for k in range(_DGRP):
            pltpu.async_copy(ones_v, acc.at[dst_v.at[j0 + k]], sem, add=True)
        for k in range(_DGRP):
            pltpu.make_async_copy(ones_v, acc.at[dst_v.at[j0 + k]], sem).wait()
        return carry

    lax.fori_loop(0, CH_D // _DGRP, group, 0)
    plsc.subcore_barrier()
    pltpu.sync_copy(acc.at[pl.ds(row0, ROWS_T)], out_hbm.at[c].at[s])


@functools.cache
def _deg_kernel_fn():
    return pl.kernel(
        _deg_body,
        out_type=jax.ShapeDtypeStruct((NC, NS, ROWS_T, WD), jnp.float32),
        mesh=_sc_mesh(),
        scratch_types=[
            pltpu.VMEM((CH_D, CD), jnp.int32),
            pltpu.VMEM((CD, WD), jnp.float32),
            pltpu.VMEM_SHARED((N_PAD, WD), jnp.float32),
            pltpu.SemaphoreType.DMA,
        ],
    )


def _deg_kernel(dst_d, ones_c1, zeros_n1):
    out = _deg_kernel_fn()(dst_d, ones_c1, zeros_n1)
    return out.reshape(NC, N_PAD, WD)


def _prop_body(tab, src_hbm, dst_hbm, zeros_hbm, out_hbm,
               src_v, dst_v, rows_0, rows_1, rows_2, acc,
               sem_0, sem_1, sem_2, sem_s):
    c = lax.axis_index("c")
    s = lax.axis_index("s")
    row0 = s * ROWS_T
    rows = (rows_0, rows_1, rows_2)
    sems = (sem_0, sem_1, sem_2)
    pltpu.sync_copy(zeros_hbm.at[s], acc.at[pl.ds(row0, ROWS_T)])
    plsc.subcore_barrier()

    def block(nb, carry):
        sv = src_v
        dv = dst_v
        pltpu.sync_copy(src_hbm.at[c].at[s].at[nb], src_v)
        pltpu.sync_copy(dst_hbm.at[s].at[nb], dst_v)
        pltpu.async_copy(tab.at[sv.at[0]], rows_0, sem_0)
        pltpu.async_copy(tab.at[sv.at[1]], rows_1, sem_1)

        def body(j, carry2):
            r = lax.rem(j, 3)
            for k in range(3):
                @pl.when(r == k)
                def _(k=k):
                    kn = (k + 2) % 3
                    pltpu.make_async_copy(tab.at[sv.at[j]], rows[k],
                                          sems[k]).wait()
                    pltpu.async_copy(rows[k], acc.at[dv.at[j]], sem_s,
                                     add=True)

                    @pl.when(j >= 1)
                    def _():
                        pltpu.make_async_copy(rows[kn],
                                              acc.at[dv.at[j]],
                                              sem_s).wait()

                    @pl.when(j + 2 < IB)
                    def _():
                        pltpu.async_copy(tab.at[sv.at[j + 2]], rows[kn],
                                         sems[kn])
            return carry2

        lax.fori_loop(0, IB, body, carry)
        pltpu.make_async_copy(rows_0, acc.at[dv.at[IB - 1]], sem_s).wait()
        return carry

    lax.fori_loop(0, NB, block, 0)
    plsc.subcore_barrier()
    pltpu.sync_copy(acc.at[pl.ds(row0, ROWS_T)], out_hbm.at[c].at[s])


@functools.cache
def _prop_kernel_fn():
    return pl.kernel(
        _prop_body,
        out_type=jax.ShapeDtypeStruct((NC, NS, ROWS_T, D), jnp.float32),
        mesh=_sc_mesh(),
        scratch_types=[
            pltpu.VMEM((IB, C), jnp.int32),
            pltpu.VMEM((IB, C), jnp.int32),
            pltpu.VMEM((C, D), jnp.float32),
            pltpu.VMEM((C, D), jnp.float32),
            pltpu.VMEM((C, D), jnp.float32),
            pltpu.VMEM_SHARED((N_PAD, D), jnp.float32),
            pltpu.SemaphoreType.DMA,
            pltpu.SemaphoreType.DMA,
            pltpu.SemaphoreType.DMA,
            pltpu.SemaphoreType.DMA,
        ],
    )


def _prop_kernel(tab2, src_pc, dst_p, zeros_nd):
    out = _prop_kernel_fn()(tab2, src_pc, dst_p, zeros_nd)
    return out.reshape(NC, N_PAD, D)



def _tc1_body(deg0, deg1, x0, dinv_o, tab_o):
    deg = deg0[0, :, :1] + deg1[0, :, :1] + 1.0
    dinv = lax.rsqrt(deg)
    dinv_o[...] = dinv
    tab_o[0] = x0[...]
    tab_o[1] = x0[...] * dinv


def _tc2_body(x0, acc_a, acc_b, dinv, w1g, b1g, w1c, b1c, tab_o):
    dv = dinv[...]
    hg = jnp.dot(x0[...] + acc_a[0], w1g[...],
                 preferred_element_type=jnp.float32) + b1g[...]
    q = dv * acc_b[0] + (dv * dv) * x0[...]
    h1 = jnp.maximum(jnp.dot(q, w1c[...], preferred_element_type=jnp.float32)
                     + b1c[...], 0.0)
    tab_o[0] = hg
    tab_o[1] = dv * h1


def _tc3_body(hg, tab2b, acc_a, acc_b, dinv,
              w2g, w2c, lin_w, fc_w, b2g, b2c, lin_b, fc_b, out_o):
    wf = jnp.dot(lin_w[...], fc_w[...], preferred_element_type=jnp.float32)
    wa = jnp.dot(w2g[...], wf, preferred_element_type=jnp.float32)
    wb = jnp.dot(w2c[...], wf, preferred_element_type=jnp.float32)
    br = (jnp.dot(b2g[...] + b2c[...], wf, preferred_element_type=jnp.float32)
          + 2.0 * jnp.dot(lin_b[...], fc_w[...],
                          preferred_element_type=jnp.float32)
          + fc_b[...])
    dv = dinv[...]
    xg = hg[0] + acc_a[0]
    p = dv * (acc_b[0] + tab2b[0])
    out_o[...] = (jnp.dot(xg, wa, preferred_element_type=jnp.float32)
                  + jnp.dot(p, wb, preferred_element_type=jnp.float32)
                  + br)


def _full_spec(shape, ndim_grid):
    return pl.BlockSpec(shape, lambda *g: tuple(0 for _ in shape))



def kernel(node_emb, edge_index,
           gin0_W1, gin0_b1, gin0_W2, gin0_b2,
           gin1_W1, gin1_b1, gin1_W2, gin1_b2,
           gcn0_W1, gcn0_b1, gcn0_W2, gcn0_b2,
           gcn1_W1, gcn1_b1, gcn1_W2, gcn1_b2,
           lin_W, lin_b, fc_W, fc_b):
    x0p = jnp.pad(node_emb, ((0, N_PAD - N), (0, 0)))
    src = edge_index[0]
    dst = edge_index[1]

    srcr = src.reshape(NS, NB, IB, C)
    src_pc = jnp.stack([srcr, srcr + N_PAD])
    dst_p = dst.reshape(NS, NB, IB, C)
    dst_d = dst.reshape(NC, NS, CH_D, CD)

    zeros_nd = jnp.zeros((NS, ROWS_T, D), jnp.float32)
    zeros_n1 = jnp.zeros((NS, ROWS_T, WD), jnp.float32)
    ones_c1 = jnp.ones((CD, WD), jnp.float32)

    degs = _deg_kernel(dst_d, ones_c1, zeros_n1)

    row_i = pl.BlockSpec((RB, D), lambda i: (i, 0))
    col_i = pl.BlockSpec((RB, 1), lambda i: (i, 0))
    pair_i = pl.BlockSpec((2, RB, D), lambda i: (0, i, 0))
    dinv, tab1 = pl.pallas_call(
        _tc1_body,
        grid=(NBLK,),
        in_specs=[pl.BlockSpec((1, RB, WD), lambda i: (0, i, 0)),
                  pl.BlockSpec((1, RB, WD), lambda i: (1, i, 0)),
                  row_i],
        out_specs=[col_i, pair_i],
        out_shape=[jax.ShapeDtypeStruct((N_PAD, 1), jnp.float32),
                   jax.ShapeDtypeStruct((2, N_PAD, D), jnp.float32)],
    )(degs, degs, x0p)
    tab1 = tab1.reshape(2 * N_PAD, D)

    acc1 = _prop_kernel(tab1, src_pc, dst_p, zeros_nd)

    tab2 = pl.pallas_call(
        _tc2_body,
        grid=(NBLK,),
        in_specs=[row_i,
                  pl.BlockSpec((1, RB, D), lambda i: (0, i, 0)),
                  pl.BlockSpec((1, RB, D), lambda i: (1, i, 0)),
                  col_i,
                  _full_spec((D, D), 1), _full_spec((1, D), 1),
                  _full_spec((D, D), 1), _full_spec((1, D), 1)],
        out_specs=pair_i,
        out_shape=jax.ShapeDtypeStruct((2, N_PAD, D), jnp.float32),
    )(x0p, acc1, acc1, dinv,
      gin1_W1, gin1_b1.reshape(1, D), gcn1_W1, gcn1_b1.reshape(1, D))

    acc2 = _prop_kernel(tab2.reshape(2 * N_PAD, D), src_pc, dst_p, zeros_nd)

    out = pl.pallas_call(
        _tc3_body,
        grid=(NBLK,),
        in_specs=[pl.BlockSpec((1, RB, D), lambda i: (0, i, 0)),
                  pl.BlockSpec((1, RB, D), lambda i: (1, i, 0)),
                  pl.BlockSpec((1, RB, D), lambda i: (0, i, 0)),
                  pl.BlockSpec((1, RB, D), lambda i: (1, i, 0)),
                  col_i,
                  _full_spec((D, D), 1), _full_spec((D, D), 1),
                  _full_spec((D, D), 1), _full_spec((D, D), 1),
                  _full_spec((1, D), 1), _full_spec((1, D), 1),
                  _full_spec((1, D), 1), _full_spec((1, D), 1)],
        out_specs=row_i,
        out_shape=jax.ShapeDtypeStruct((N_PAD, D), jnp.float32),
    )(tab2, tab2, acc2, acc2, dinv,
      gin1_W2, gcn1_W2, lin_W, fc_W,
      gin1_b2.reshape(1, D), gcn1_b2.reshape(1, D),
      lin_b.reshape(1, D), fc_b.reshape(1, D))

    return out[:N]

# --- scband reference (transcript-rebuilt; emitter-appended) ---
"""Pipeline reference for scband-ssl-73512660238656 (READ-ONLY COPY).

The authoritative reference and input builder live on the scoring server;
editing this copy changes nothing except your own understanding.
"""

import jax, jax.numpy as jnp
import numpy as np

N = 10000
E = 320000
D = 128

_PNAMES = [
    'gin0_W1', 'gin0_b1', 'gin0_W2', 'gin0_b2',
    'gin1_W1', 'gin1_b1', 'gin1_W2', 'gin1_b2',
    'gcn0_W1', 'gcn0_b1', 'gcn0_W2', 'gcn0_b2',
    'gcn1_W1', 'gcn1_b1', 'gcn1_W2', 'gcn1_b2',
    'lin_W', 'lin_b', 'fc_W', 'fc_b',
]


def setup_inputs(seed: int = 0):
    key = jax.random.key(seed)
    k_x, k_e, k_p = jax.random.split(key, 3)
    inp = {}
    inp['node_emb'] = jax.random.normal(k_x, (N, D), dtype=jnp.float32)
    inp['edge_index'] = jax.random.randint(k_e, (2, E), 0, N, dtype=jnp.int32)
    pkeys = jax.random.split(k_p, len(_PNAMES))
    for name, k in zip(_PNAMES, pkeys):
        shape = (D, D) if 'W' in name else (D,)
        inp[name] = 0.05 * jax.random.normal(k, shape, dtype=jnp.float32)
    return inp


def _gin_conv(x, src, dst, W, b):
    # GINConv with eps=0: nn((1+eps)*x + sum_{j in N(i)} x_j); nn == single Linear
    agg = jax.ops.segment_sum(x[src], dst, num_segments=N)
    return (x + agg) @ W + b


def _gcn_conv(x, src, dst, W, b):
    # GCNConv normalize=True: D^{-1/2}(A+I)D^{-1/2} X W + b
    h = x @ W
    loop = jnp.arange(N, dtype=src.dtype)
    s = jnp.concatenate([src, loop])
    d = jnp.concatenate([dst, loop])
    deg = jax.ops.segment_sum(jnp.ones((s.shape[0],), dtype=h.dtype), d, num_segments=N)
    dinv = jnp.where(deg > 0, jax.lax.rsqrt(deg), 0.0)
    norm = dinv[s] * dinv[d]
    out = jax.ops.segment_sum(h[s] * norm[:, None], d, num_segments=N)
    return out + b


def _gin_forward(x, src, dst, W1, b1, W2, b2):
    h = _gin_conv(x, src, dst, W1, b1)
    return _gin_conv(h, src, dst, W2, b2)


def _gcn_forward(x, src, dst, W1, b1, W2, b2):
    h = jax.nn.relu(_gcn_conv(x, src, dst, W1, b1))
    # dropout is identity in eval mode
    return _gcn_conv(h, src, dst, W2, b2)


def reference(node_emb, edge_index,
              gin0_W1, gin0_b1, gin0_W2, gin0_b2,
              gin1_W1, gin1_b1, gin1_W2, gin1_b2,
              gcn0_W1, gcn0_b1, gcn0_W2, gcn0_b2,
              gcn1_W1, gcn1_b1, gcn1_W2, gcn1_b2,
              lin_W, lin_b, fc_W, fc_b):
    src, dst = edge_index[0], edge_index[1]
    gin_params = [(gin0_W1, gin0_b1, gin0_W2, gin0_b2),
                  (gin1_W1, gin1_b1, gin1_W2, gin1_b2)]
    gcn_params = [(gcn0_W1, gcn0_b1, gcn0_W2, gcn0_b2),
                  (gcn1_W1, gcn1_b1, gcn1_W2, gcn1_b2)]
    x_gin = node_emb
    x_gcn = node_emb
    # Faithful to the original loop: each iteration re-applies layer i to the raw
    # node_emb, so the final value comes from layer num_layers-1 (dropout=identity eval).
    for i in range(2):
        W1, b1, W2, b2 = gin_params[i]
        x_gin = _gin_forward(node_emb, src, dst, W1, b1, W2, b2)
        W1, b1, W2, b2 = gcn_params[i]
        x_gcn = _gcn_forward(node_emb, src, dst, W1, b1, W2, b2)
    x_gin = x_gin @ lin_W + lin_b
    x_gcn = x_gcn @ lin_W + lin_b
    return (x_gin + x_gcn) @ fc_W + fc_b

if __name__ == "__main__":
    import jax
    _d = setup_inputs()
    print(jax.jit(kernel)(*tuple(_d.values())))

</pallas_src>

<mosaic_0001>
#map = affine_map<(d0, d1) -> (0, 0, 0, 0)>
#map1 = affine_map<(d0, d1) -> (0, 0)>
#map2 = affine_map<(d0, d1) -> (0, 0, 0)>
module attributes {stable_mosaic.version = 14 : i64} {
  func.func @_deg_body(%arg0: i32, %arg1: i32, %arg2: memref<2x16x80x125xi32, #tpu.memory_space<hbm>>, %arg3: memref<125x128xf32, #tpu.memory_space<hbm>>, %arg4: memref<16x640x128xf32, #tpu.memory_space<hbm>>, %arg5: memref<2x16x640x128xf32, #tpu.memory_space<hbm>>, %arg6: memref<80x125xi32, #tpu.memory_space<vmem>>, %arg7: memref<125x128xf32, #tpu.memory_space<vmem>>, %arg8: memref<10240x128xf32, #tpu.memory_space<vmem_shared>>, %arg9: memref<!tpu.dma_semaphore, #tpu.memory_space<semaphore_mem>>) attributes {dimension_semantics = [#tpu.dimension_semantics<core_parallel>, #tpu.dimension_semantics<subcore_parallel>], iteration_bounds = array<i64: 2, 16>, scalar_prefetch = 0 : i64, scratch_operands = 4 : i64, tpu.core_type = #tpu.core_type<sc_vector_subcore>, window_params = [{transform_indices = #map}, {transform_indices = #map1}, {transform_indices = #map2}, {transform_indices = #map}]} {
    %mul3A = arith.constant 640 : i32
    %mul3A_0 = arith.muli %arg1, %mul3A : i32
    "tpu.region"() ({
      %run_scoped3A = tpu.sem_alloc : memref<!tpu.dma_semaphore, #tpu.memory_space<semaphore_mem>>
      %dma_start3A = arith.constant 0 : i32
      %dma_start3A_7 = tpu.memref_slice %arg8[%mul3A_0, %dma_start3A] : memref<10240x128xf32, #tpu.memory_space<vmem_shared>> -> memref<640x128xf32, #tpu.memory_space<vmem_shared>>
      %dma_start3A_8 = arith.constant 0 : i32
      %dma_start3A_9 = arith.constant 0 : i32
      %dma_start3A_10 = tpu.memref_slice %arg4[%arg1, %dma_start3A_8, %dma_start3A_9] : memref<16x640x128xf32, #tpu.memory_space<hbm>> -> memref<1x640x128xf32, #tpu.memory_space<hbm>>
      %dma_start3A_11 = tpu.memref_squeeze %dma_start3A_10 : memref<1x640x128xf32, #tpu.memory_space<hbm>> -> memref<640x128xf32, #tpu.memory_space<hbm>>
      tpu.enqueue_dma source(%dma_start3A_11 : memref<640x128xf32, #tpu.memory_space<hbm>>) target(%dma_start3A_7 : memref<640x128xf32, #tpu.memory_space<vmem_shared>>) target_semaphore(%run_scoped3A : memref<!tpu.dma_semaphore, #tpu.memory_space<semaphore_mem>>)
      %dma_wait3A = arith.constant 0 : i32
      %dma_wait3A_12 = tpu.memref_slice %arg8[%mul3A_0, %dma_wait3A] : memref<10240x128xf32, #tpu.memory_space<vmem_shared>> -> memref<640x128xf32, #tpu.memory_space<vmem_shared>>
      %dma_wait3A_13 = arith.constant 0 : i32
      %dma_wait3A_14 = arith.constant 0 : i32
      %dma_wait3A_15 = tpu.memref_slice %arg4[%arg1, %dma_wait3A_13, %dma_wait3A_14] : memref<16x640x128xf32, #tpu.memory_space<hbm>> -> memref<1x640x128xf32, #tpu.memory_space<hbm>>
      %dma_wait3A_16 = tpu.memref_squeeze %dma_wait3A_15 : memref<1x640x128xf32, #tpu.memory_space<hbm>> -> memref<640x128xf32, #tpu.memory_space<hbm>>
      tpu.wait_dma2 semaphore(%run_scoped3A : memref<!tpu.dma_semaphore, #tpu.memory_space<semaphore_mem>>) src(%dma_wait3A_16 : memref<640x128xf32, #tpu.memory_space<hbm>>) dst(%dma_wait3A_12 : memref<640x128xf32, #tpu.memory_space<vmem_shared>>)
      tpu.yield
    }) : () -> ()
    "tpu.region"() ({
      %run_scoped3A = tpu.sem_alloc : memref<!tpu.dma_semaphore, #tpu.memory_space<semaphore_mem>>
      tpu.enqueue_dma source(%arg3 : memref<125x128xf32, #tpu.memory_space<hbm>>) target(%arg7 : memref<125x128xf32, #tpu.memory_space<vmem>>) target_semaphore(%run_scoped3A : memref<!tpu.dma_semaphore, #tpu.memory_space<semaphore_mem>>)
      tpu.wait_dma2 semaphore(%run_scoped3A : memref<!tpu.dma_semaphore, #tpu.memory_space<semaphore_mem>>) src(%arg3 : memref<125x128xf32, #tpu.memory_space<hbm>>) dst(%arg7 : memref<125x128xf32, #tpu.memory_space<vmem>>)
      tpu.yield
    }) : () -> ()
    "tpu.region"() ({
      %run_scoped3A = tpu.sem_alloc : memref<!tpu.dma_semaphore, #tpu.memory_space<semaphore_mem>>
      %dma_start3A = arith.constant 0 : i32
      %dma_start3A_7 = arith.constant 0 : i32
      %dma_start3A_8 = arith.constant 0 : i32
      %dma_start3A_9 = tpu.memref_slice %arg2[%arg0, %dma_start3A, %dma_start3A_7, %dma_start3A_8] : memref<2x16x80x125xi32, #tpu.memory_space<hbm>> -> memref<1x16x80x125xi32, #tpu.memory_space<hbm>>
      %dma_start3A_10 = tpu.memref_squeeze %dma_start3A_9 : memref<1x16x80x125xi32, #tpu.memory_space<hbm>> -> memref<16x80x125xi32, #tpu.memory_space<hbm>>
      %dma_start3A_11 = arith.constant 0 : i32
      %dma_start3A_12 = arith.constant 0 : i32
      %dma_start3A_13 = tpu.memref_slice %dma_start3A_10[%arg1, %dma_start3A_11, %dma_start3A_12] : memref<16x80x125xi32, #tpu.memory_space<hbm>> -> memref<1x80x125xi32, #tpu.memory_space<hbm>>
      %dma_start3A_14 = tpu.memref_squeeze %dma_start3A_13 : memref<1x80x125xi32, #tpu.memory_space<hbm>> -> memref<80x125xi32, #tpu.memory_space<hbm>>
      %dma_start3A_15 = arith.constant 0 : i32
      %dma_start3A_16 = arith.constant 0 : i32
      %dma_start3A_17 = arith.constant 0 : i32
      %dma_start3A_18 = tpu.memref_slice %arg2[%arg0, %dma_start3A_15, %dma_start3A_16, %dma_start3A_17] : memref<2x16x80x125xi32, #tpu.memory_space<hbm>> -> memref<1x16x80x125xi32, #tpu.memory_space<hbm>>
      %dma_start3A_19 = tpu.memref_squeeze %dma_start3A_18 : memref<1x16x80x125xi32, #tpu.memory_space<hbm>> -> memref<16x80x125xi32, #tpu.memory_space<hbm>>
      %dma_start3A_20 = arith.constant 0 : i32
      %dma_start3A_21 = arith.constant 0 : i32
      %dma_start3A_22 = tpu.memref_slice %dma_start3A_19[%arg1, %dma_start3A_20, %dma_start3A_21] : memref<16x80x125xi32, #tpu.memory_space<hbm>> -> memref<1x80x125xi32, #tpu.memory_space<hbm>>
      %dma_start3A_23 = tpu.memref_squeeze %dma_start3A_22 : memref<1x80x125xi32, #tpu.memory_space<hbm>> -> memref<80x125xi32, #tpu.memory_space<hbm>>
      tpu.enqueue_dma source(%dma_start3A_23 : memref<80x125xi32, #tpu.memory_space<hbm>>) target(%arg6 : memref<80x125xi32, #tpu.memory_space<vmem>>) target_semaphore(%run_scoped3A : memref<!tpu.dma_semaphore, #tpu.memory_space<semaphore_mem>>)
      %dma_wait3A = arith.constant 0 : i32
      %dma_wait3A_24 = arith.constant 0 : i32
      %dma_wait3A_25 = arith.constant 0 : i32
      %dma_wait3A_26 = tpu.memref_slice %arg2[%arg0, %dma_wait3A, %dma_wait3A_24, %dma_wait3A_25] : memref<2x16x80x125xi32, #tpu.memory_space<hbm>> -> memref<1x16x80x125xi32, #tpu.memory_space<hbm>>
      %dma_wait3A_27 = tpu.memref_squeeze %dma_wait3A_26 : memref<1x16x80x125xi32, #tpu.memory_space<hbm>> -> memref<16x80x125xi32, #tpu.memory_space<hbm>>
      %dma_wait3A_28 = arith.constant 0 : i32
      %dma_wait3A_29 = arith.constant 0 : i32
      %dma_wait3A_30 = tpu.memref_slice %dma_wait3A_27[%arg1, %dma_wait3A_28, %dma_wait3A_29] : memref<16x80x125xi32, #tpu.memory_space<hbm>> -> memref<1x80x125xi32, #tpu.memory_space<hbm>>
      %dma_wait3A_31 = tpu.memref_squeeze %dma_wait3A_30 : memref<1x80x125xi32, #tpu.memory_space<hbm>> -> memref<80x125xi32, #tpu.memory_space<hbm>>
      %dma_wait3A_32 = arith.constant 0 : i32
      %dma_wait3A_33 = arith.constant 0 : i32
      %dma_wait3A_34 = arith.constant 0 : i32
      %dma_wait3A_35 = tpu.memref_slice %arg2[%arg0, %dma_wait3A_32, %dma_wait3A_33, %dma_wait3A_34] : memref<2x16x80x125xi32, #tpu.memory_space<hbm>> -> memref<1x16x80x125xi32, #tpu.memory_space<hbm>>
      %dma_wait3A_36 = tpu.memref_squeeze %dma_wait3A_35 : memref<1x16x80x125xi32, #tpu.memory_space<hbm>> -> memref<16x80x125xi32, #tpu.memory_space<hbm>>
      %dma_wait3A_37 = arith.constant 0 : i32
      %dma_wait3A_38 = arith.constant 0 : i32
      %dma_wait3A_39 = tpu.memref_slice %dma_wait3A_36[%arg1, %dma_wait3A_37, %dma_wait3A_38] : memref<16x80x125xi32, #tpu.memory_space<hbm>> -> memref<1x80x125xi32, #tpu.memory_space<hbm>>
      %dma_wait3A_40 = tpu.memref_squeeze %dma_wait3A_39 : memref<1x80x125xi32, #tpu.memory_space<hbm>> -> memref<80x125xi32, #tpu.memory_space<hbm>>
      tpu.wait_dma2 semaphore(%run_scoped3A : memref<!tpu.dma_semaphore, #tpu.memory_space<semaphore_mem>>) src(%dma_wait3A_40 : memref<80x125xi32, #tpu.memory_space<hbm>>) dst(%arg6 : memref<80x125xi32, #tpu.memory_space<vmem>>)
      tpu.yield
    }) : () -> ()
    %barrier3A = arith.constant 0 : index
    tpu.barrier barrier_id(%barrier3A)
    %scan3A = arith.constant 0 : i32
    %scan3A_1 = arith.constant 0 : i32
    %scan3A_2 = arith.constant 10 : i32
    %scan3A_3 = arith.addi %scan3A_1, %scan3A_2 : i32
    %scan3A_4 = arith.constant 1 : i32
    scf.for %scan3A_7 = %scan3A_1 to %scan3A_3 step %scan3A_4  : i32 {
      %mul3A_8 = arith.constant 8 : i32
      %mul3A_9 = arith.muli %scan3A_7, %mul3A_8 : i32
      %add3A = arith.constant 0 : i32
      %add3A_10 = arith.addi %mul3A_9, %add3A : i32
      %dma_start3A = arith.constant 0 : i32
      %dma_start3A_11 = tpu.memref_slice %arg6[%add3A_10, %dma_start3A] : memref<80x125xi32, #tpu.memory_space<vmem>> -> memref<1x125xi32, #tpu.memory_space<vmem>>
      %dma_start3A_12 = tpu.memref_squeeze %dma_start3A_11 : memref<1x125xi32, #tpu.memory_space<vmem>> -> memref<125xi32, #tpu.memory_space<vmem>>
      %dma_start3A_13 = arith.constant 0 : i32
      %dma_start3A_14 = arith.constant 0 : i32
      %dma_start3A_15 = tpu.memref_slice %arg8[%dma_start3A_13, %dma_start3A_14] : memref<10240x128xf32, #tpu.memory_space<vmem_shared>> -> memref<10240x128xf32, #tpu.memory_space<vmem_shared>>
      tpu.enqueue_indirect_dma source(%arg7 : memref<125x128xf32, #tpu.memory_space<vmem>>) target(%dma_start3A_15 : memref<10240x128xf32, #tpu.memory_space<vmem_shared>>) offsets(%dma_start3A_12 : memref<125xi32, #tpu.memory_space<vmem>>) semaphore(%arg9 : memref<!tpu.dma_semaphore, #tpu.memory_space<semaphore_mem>>) {add = true}
      %add3A_16 = arith.constant 1 : i32
      %add3A_17 = arith.addi %mul3A_9, %add3A_16 : i32
      %dma_start3A_18 = arith.constant 0 : i32
      %dma_start3A_19 = tpu.memref_slice %arg6[%add3A_17, %dma_start3A_18] : memref<80x125xi32, #tpu.memory_space<vmem>> -> memref<1x125xi32, #tpu.memory_space<vmem>>
      %dma_start3A_20 = tpu.memref_squeeze %dma_start3A_19 : memref<1x125xi32, #tpu.memory_space<vmem>> -> memref<125xi32, #tpu.memory_space<vmem>>
      %dma_start3A_21 = arith.constant 0 : i32
      %dma_start3A_22 = arith.constant 0 : i32
      %dma_start3A_23 = tpu.memref_slice %arg8[%dma_start3A_21, %dma_start3A_22] : memref<10240x128xf32, #tpu.memory_space<vmem_shared>> -> memref<10240x128xf32, #tpu.memory_space<vmem_shared>>
      tpu.enqueue_indirect_dma source(%arg7 : memref<125x128xf32, #tpu.memory_space<vmem>>) target(%dma_start3A_23 : memref<10240x128xf32, #tpu.memory_space<vmem_shared>>) offsets(%dma_start3A_20 : memref<125xi32, #tpu.memory_space<vmem>>) semaphore(%arg9 : memref<!tpu.dma_semaphore, #tpu.memory_space<semaphore_mem>>) {add = true}
      %add3A_24 = arith.constant 2 : i32
      %add3A_25 = arith.addi %mul3A_9, %add3A_24 : i32
      %dma_start3A_26 = arith.constant 0 : i32
      %dma_start3A_27 = tpu.memref_slice %arg6[%add3A_25, %dma_start3A_26] : memref<80x125xi32, #tpu.memory_space<vmem>> -> memref<1x125xi32, #tpu.memory_space<vmem>>
      %dma_start3A_28 = tpu.memref_squeeze %dma_start3A_27 : memref<1x125xi32, #tpu.memory_space<vmem>> -> memref<125xi32, #tpu.memory_space<vmem>>
      %dma_start3A_29 = arith.constant 0 : i32
      %dma_start3A_30 = arith.constant 0 : i32
      %dma_start3A_31 = tpu.memref_slice %arg8[%dma_start3A_29, %dma_start3A_30] : memref<10240x128xf32, #tpu.memory_space<vmem_shared>> -> memref<10240x128xf32, #tpu.memory_space<vmem_shared>>
      tpu.enqueue_indirect_dma source(%arg7 : memref<125x128xf32, #tpu.memory_space<vmem>>) target(%dma_start3A_31 : memref<10240x128xf32, #tpu.memory_space<vmem_shared>>) offsets(%dma_start3A_28 : memref<125xi32, #tpu.memory_space<vmem>>) semaphore(%arg9 : memref<!tpu.dma_semaphore, #tpu.memory_space<semaphore_mem>>) {add = true}
      %add3A_32 = arith.constant 3 : i32
      %add3A_33 = arith.addi %mul3A_9, %add3A_32 : i32
      %dma_start3A_34 = arith.constant 0 : i32
      %dma_start3A_35 = tpu.memref_slice %arg6[%add3A_33, %dma_start3A_34] : memref<80x125xi32, #tpu.memory_space<vmem>> -> memref<1x125xi32, #tpu.memory_space<vmem>>
      %dma_start3A_36 = tpu.memref_squeeze %dma_start3A_35 : memref<1x125xi32, #tpu.memory_space<vmem>> -> memref<125xi32, #tpu.memory_space<vmem>>
      %dma_start3A_37 = arith.constant 0 : i32
      %dma_start3A_38 = arith.constant 0 : i32
      %dma_start3A_39 = tpu.memref_slice %arg8[%dma_start3A_37, %dma_start3A_38] : memref<10240x128xf32, #tpu.memory_space<vmem_shared>> -> memref<10240x128xf32, #tpu.memory_space<vmem_shared>>
      tpu.enqueue_indirect_dma source(%arg7 : memref<125x128xf32, #tpu.memory_space<vmem>>) target(%dma_start3A_39 : memref<10240x128xf32, #tpu.memory_space<vmem_shared>>) offsets(%dma_start3A_36 : memref<125xi32, #tpu.memory_space<vmem>>) semaphore(%arg9 : memref<!tpu.dma_semaphore, #tpu.memory_space<semaphore_mem>>) {add = true}
      %add3A_40 = arith.constant 4 : i32
      %add3A_41 = arith.addi %mul3A_9, %add3A_40 : i32
      %dma_start3A_42 = arith.constant 0 : i32
      %dma_start3A_43 = tpu.memref_slice %arg6[%add3A_41, %dma_start3A_42] : memref<80x125xi32, #tpu.memory_space<vmem>> -> memref<1x125xi32, #tpu.memory_space<vmem>>
      %dma_start3A_44 = tpu.memref_squeeze %dma_start3A_43 : memref<1x125xi32, #tpu.memory_space<vmem>> -> memref<125xi32, #tpu.memory_space<vmem>>
      %dma_start3A_45 = arith.constant 0 : i32
      %dma_start3A_46 = arith.constant 0 : i32
      %dma_start3A_47 = tpu.memref_slice %arg8[%dma_start3A_45, %dma_start3A_46] : memref<10240x128xf32, #tpu.memory_space<vmem_shared>> -> memref<10240x128xf32, #tpu.memory_space<vmem_shared>>
      tpu.enqueue_indirect_dma source(%arg7 : memref<125x128xf32, #tpu.memory_space<vmem>>) target(%dma_start3A_47 : memref<10240x128xf32, #tpu.memory_space<vmem_shared>>) offsets(%dma_start3A_44 : memref<125xi32, #tpu.memory_space<vmem>>) semaphore(%arg9 : memref<!tpu.dma_semaphore, #tpu.memory_space<semaphore_mem>>) {add = true}
      %add3A_48 = arith.constant 5 : i32
      %add3A_49 = arith.addi %mul3A_9, %add3A_48 : i32
      %dma_start3A_50 = arith.constant 0 : i32
      %dma_start3A_51 = tpu.memref_slice %arg6[%add3A_49, %dma_start3A_50] : memref<80x125xi32, #tpu.memory_space<vmem>> -> memref<1x125xi32, #tpu.memory_space<vmem>>
      %dma_start3A_52 = tpu.memref_squeeze %dma_start3A_51 : memref<1x125xi32, #tpu.memory_space<vmem>> -> memref<125xi32, #tpu.memory_space<vmem>>
      %dma_start3A_53 = arith.constant 0 : i32
      %dma_start3A_54 = arith.constant 0 : i32
      %dma_start3A_55 = tpu.memref_slice %arg8[%dma_start3A_53, %dma_start3A_54] : memref<10240x128xf32, #tpu.memory_space<vmem_shared>> -> memref<10240x128xf32, #tpu.memory_space<vmem_shared>>
      tpu.enqueue_indirect_dma source(%arg7 : memref<125x128xf32, #tpu.memory_space<vmem>>) target(%dma_start3A_55 : memref<10240x128xf32, #tpu.memory_space<vmem_shared>>) offsets(%dma_start3A_52 : memref<125xi32, #tpu.memory_space<vmem>>) semaphore(%arg9 : memref<!tpu.dma_semaphore, #tpu.memory_space<semaphore_mem>>) {add = true}
      %add3A_56 = arith.constant 6 : i32
      %add3A_57 = arith.addi %mul3A_9, %add3A_56 : i32
      %dma_start3A_58 = arith.constant 0 : i32
      %dma_start3A_59 = tpu.memref_slice %arg6[%add3A_57, %dma_start3A_58] : memref<80x125xi32, #tpu.memory_space<vmem>> -> memref<1x125xi32, #tpu.memory_space<vmem>>
      %dma_start3A_60 = tpu.memref_squeeze %dma_start3A_59 : memref<1x125xi32, #tpu.memory_space<vmem>> -> memref<125xi32, #tpu.memory_space<vmem>>
      %dma_start3A_61 = arith.constant 0 : i32
      %dma_start3A_62 = arith.constant 0 : i32
      %dma_start3A_63 = tpu.memref_slice %arg8[%dma_start3A_61, %dma_start3A_62] : memref<10240x128xf32, #tpu.memory_space<vmem_shared>> -> memref<10240x128xf32, #tpu.memory_space<vmem_shared>>
      tpu.enqueue_indirect_dma source(%arg7 : memref<125x128xf32, #tpu.memory_space<vmem>>) target(%dma_start3A_63 : memref<10240x128xf32, #tpu.memory_space<vmem_shared>>) offsets(%dma_start3A_60 : memref<125xi32, #tpu.memory_space<vmem>>) semaphore(%arg9 : memref<!tpu.dma_semaphore, #tpu.memory_space<semaphore_mem>>) {add = true}
      %add3A_64 = arith.constant 7 : i32
      %add3A_65 = arith.addi %mul3A_9, %add3A_64 : i32
      %dma_start3A_66 = arith.constant 0 : i32
      %dma_start3A_67 = tpu.memref_slice %arg6[%add3A_65, %dma_start3A_66] : memref<80x125xi32, #tpu.memory_space<vmem>> -> memref<1x125xi32, #tpu.memory_space<vmem>>
      %dma_start3A_68 = tpu.memref_squeeze %dma_start3A_67 : memref<1x125xi32, #tpu.memory_space<vmem>> -> memref<125xi32, #tpu.memory_space<vmem>>
      %dma_start3A_69 = arith.constant 0 : i32
      %dma_start3A_70 = arith.constant 0 : i32
      %dma_start3A_71 = tpu.memref_slice %arg8[%dma_start3A_69, %dma_start3A_70] : memref<10240x128xf32, #tpu.memory_space<vmem_shared>> -> memref<10240x128xf32, #tpu.memory_space<vmem_shared>>
      tpu.enqueue_indirect_dma source(%arg7 : memref<125x128xf32, #tpu.memory_space<vmem>>) target(%dma_start3A_71 : memref<10240x128xf32, #tpu.memory_space<vmem_shared>>) offsets(%dma_start3A_68 : memref<125xi32, #tpu.memory_space<vmem>>) semaphore(%arg9 : memref<!tpu.dma_semaphore, #tpu.memory_space<semaphore_mem>>) {add = true}
      %add3A_72 = arith.constant 0 : i32
      %add3A_73 = arith.addi %mul3A_9, %add3A_72 : i32
      %dma_wait3A = arith.constant 0 : i32
      %dma_wait3A_74 = tpu.memref_slice %arg6[%add3A_73, %dma_wait3A] : memref<80x125xi32, #tpu.memory_space<vmem>> -> memref<1x125xi32, #tpu.memory_space<vmem>>
      %dma_wait3A_75 = tpu.memref_squeeze %dma_wait3A_74 : memref<1x125xi32, #tpu.memory_space<vmem>> -> memref<125xi32, #tpu.memory_space<vmem>>
      %dma_wait3A_76 = arith.constant 0 : i32
      %dma_wait3A_77 = arith.constant 0 : i32
      %dma_wait3A_78 = tpu.memref_slice %arg8[%dma_wait3A_76, %dma_wait3A_77] : memref<10240x128xf32, #tpu.memory_space<vmem_shared>> -> memref<10240x128xf32, #tpu.memory_space<vmem_shared>>
      tpu.wait_indirect_dma semaphore(%arg9 : memref<!tpu.dma_semaphore, #tpu.memory_space<semaphore_mem>>) src(%arg7 : memref<125x128xf32, #tpu.memory_space<vmem>>) dst(%dma_wait3A_78 : memref<10240x128xf32, #tpu.memory_space<vmem_shared>>)
      %add3A_79 = arith.constant 1 : i32
      %add3A_80 = arith.addi %mul3A_9, %add3A_79 : i32
      %dma_wait3A_81 = arith.constant 0 : i32
      %dma_wait3A_82 = tpu.memref_slice %arg6[%add3A_80, %dma_wait3A_81] : memref<80x125xi32, #tpu.memory_space<vmem>> -> memref<1x125xi32, #tpu.memory_space<vmem>>
      %dma_wait3A_83 = tpu.memref_squeeze %dma_wait3A_82 : memref<1x125xi32, #tpu.memory_space<vmem>> -> memref<125xi32, #tpu.memory_space<vmem>>
      %dma_wait3A_84 = arith.constant 0 : i32
      %dma_wait3A_85 = arith.constant 0 : i32
      %dma_wait3A_86 = tpu.memref_slice %arg8[%dma_wait3A_84, %dma_wait3A_85] : memref<10240x128xf32, #tpu.memory_space<vmem_shared>> -> memref<10240x128xf32, #tpu.memory_space<vmem_shared>>
      tpu.wait_indirect_dma semaphore(%arg9 : memref<!tpu.dma_semaphore, #tpu.memory_space<semaphore_mem>>) src(%arg7 : memref<125x128xf32, #tpu.memory_space<vmem>>) dst(%dma_wait3A_86 : memref<10240x128xf32, #tpu.memory_space<vmem_shared>>)
      %add3A_87 = arith.constant 2 : i32
      %add3A_88 = arith.addi %mul3A_9, %add3A_87 : i32
      %dma_wait3A_89 = arith.constant 0 : i32
      %dma_wait3A_90 = tpu.memref_slice %arg6[%add3A_88, %dma_wait3A_89] : memref<80x125xi32, #tpu.memory_space<vmem>> -> memref<1x125xi32, #tpu.memory_space<vmem>>
      %dma_wait3A_91 = tpu.memref_squeeze %dma_wait3A_90 : memref<1x125xi32, #tpu.memory_space<vmem>> -> memref<125xi32, #tpu.memory_space<vmem>>
      %dma_wait3A_92 = arith.constant 0 : i32
      %dma_wait3A_93 = arith.constant 0 : i32
      %dma_wait3A_94 = tpu.memref_slice %arg8[%dma_wait3A_92, %dma_wait3A_93] : memref<10240x128xf32, #tpu.memory_space<vmem_shared>> -> memref<10240x128xf32, #tpu.memory_space<vmem_shared>>
      tpu.wait_indirect_dma semaphore(%arg9 : memref<!tpu.dma_semaphore, #tpu.memory_space<semaphore_mem>>) src(%arg7 : memref<125x128xf32, #tpu.memory_space<vmem>>) dst(%dma_wait3A_94 : memref<10240x128xf32, #tpu.memory_space<vmem_shared>>)
      %add3A_95 = arith.constant 3 : i32
      %add3A_96 = arith.addi %mul3A_9, %add3A_95 : i32
      %dma_wait3A_97 = arith.constant 0 : i32
      %dma_wait3A_98 = tpu.memref_slice %arg6[%add3A_96, %dma_wait3A_97] : memref<80x125xi32, #tpu.memory_space<vmem>> -> memref<1x125xi32, #tpu.memory_space<vmem>>
      %dma_wait3A_99 = tpu.memref_squeeze %dma_wait3A_98 : memref<1x125xi32, #tpu.memory_space<vmem>> -> memref<125xi32, #tpu.memory_space<vmem>>
      %dma_wait3A_100 = arith.constant 0 : i32
      %dma_wait3A_101 = arith.constant 0 : i32
      %dma_wait3A_102 = tpu.memref_slice %arg8[%dma_wait3A_100, %dma_wait3A_101] : memref<10240x128xf32, #tpu.memory_space<vmem_shared>> -> memref<10240x128xf32, #tpu.memory_space<vmem_shared>>
      tpu.wait_indirect_dma semaphore(%arg9 : memref<!tpu.dma_semaphore, #tpu.memory_space<semaphore_mem>>) src(%arg7 : memref<125x128xf32, #tpu.memory_space<vmem>>) dst(%dma_wait3A_102 : memref<10240x128xf32, #tpu.memory_space<vmem_shared>>)
      %add3A_103 = arith.constant 4 : i32
      %add3A_104 = arith.addi %mul3A_9, %add3A_103 : i32
      %dma_wait3A_105 = arith.constant 0 : i32
      %dma_wait3A_106 = tpu.memref_slice %arg6[%add3A_104, %dma_wait3A_105] : memref<80x125xi32, #tpu.memory_space<vmem>> -> memref<1x125xi32, #tpu.memory_space<vmem>>
      %dma_wait3A_107 = tpu.memref_squeeze %dma_wait3A_106 : memref<1x125xi32, #tpu.memory_space<vmem>> -> memref<125xi32, #tpu.memory_space<vmem>>
      %dma_wait3A_108 = arith.constant 0 : i32
      %dma_wait3A_109 = arith.constant 0 : i32
      %dma_wait3A_110 = tpu.memref_slice %arg8[%dma_wait3A_108, %dma_wait3A_109] : memref<10240x128xf32, #tpu.memory_space<vmem_shared>> -> memref<10240x128xf32, #tpu.memory_space<vmem_shared>>
      tpu.wait_indirect_dma semaphore(%arg9 : memref<!tpu.dma_semaphore, #tpu.memory_space<semaphore_mem>>) src(%arg7 : memref<125x128xf32, #tpu.memory_space<vmem>>) dst(%dma_wait3A_110 : memref<10240x128xf32, #tpu.memory_space<vmem_shared>>)
      %add3A_111 = arith.constant 5 : i32
      %add3A_112 = arith.addi %mul3A_9, %add3A_111 : i32
      %dma_wait3A_113 = arith.constant 0 : i32
      %dma_wait3A_114 = tpu.memref_slice %arg6[%add3A_112, %dma_wait3A_113] : memref<80x125xi32, #tpu.memory_space<vmem>> -> memref<1x125xi32, #tpu.memory_space<vmem>>
      %dma_wait3A_115 = tpu.memref_squeeze %dma_wait3A_114 : memref<1x125xi32, #tpu.memory_space<vmem>> -> memref<125xi32, #tpu.memory_space<vmem>>
      %dma_wait3A_116 = arith.constant 0 : i32
      %dma_wait3A_117 = arith.constant 0 : i32
      %dma_wait3A_118 = tpu.memref_slice %arg8[%dma_wait3A_116, %dma_wait3A_117] : memref<10240x128xf32, #tpu.memory_space<vmem_shared>> -> memref<10240x128xf32, #tpu.memory_space<vmem_shared>>
      tpu.wait_indirect_dma semaphore(%arg9 : memref<!tpu.dma_semaphore, #tpu.memory_space<semaphore_mem>>) src(%arg7 : memref<125x128xf32, #tpu.memory_space<vmem>>) dst(%dma_wait3A_118 : memref<10240x128xf32, #tpu.memory_space<vmem_shared>>)
      %add3A_119 = arith.constant 6 : i32
      %add3A_120 = arith.addi %mul3A_9, %add3A_119 : i32
      %dma_wait3A_121 = arith.constant 0 : i32
      %dma_wait3A_122 = tpu.memref_slice %arg6[%add3A_120, %dma_wait3A_121] : memref<80x125xi32, #tpu.memory_space<vmem>> -> memref<1x125xi32, #tpu.memory_space<vmem>>
      %dma_wait3A_123 = tpu.memref_squeeze %dma_wait3A_122 : memref<1x125xi32, #tpu.memory_space<vmem>> -> memref<125xi32, #tpu.memory_space<vmem>>
      %dma_wait3A_124 = arith.constant 0 : i32
      %dma_wait3A_125 = arith.constant 0 : i32
      %dma_wait3A_126 = tpu.memref_slice %arg8[%dma_wait3A_124, %dma_wait3A_125] : memref<10240x128xf32, #tpu.memory_space<vmem_shared>> -> memref<10240x128xf32, #tpu.memory_space<vmem_shared>>
      tpu.wait_indirect_dma semaphore(%arg9 : memref<!tpu.dma_semaphore, #tpu.memory_space<semaphore_mem>>) src(%arg7 : memref<125x128xf32, #tpu.memory_space<vmem>>) dst(%dma_wait3A_126 : memref<10240x128xf32, #tpu.memory_space<vmem_shared>>)
      %add3A_127 = arith.constant 7 : i32
      %add3A_128 = arith.addi %mul3A_9, %add3A_127 : i32
      %dma_wait3A_129 = arith.constant 0 : i32
      %dma_wait3A_130 = tpu.memref_slice %arg6[%add3A_128, %dma_wait3A_129] : memref<80x125xi32, #tpu.memory_space<vmem>> -> memref<1x125xi32, #tpu.memory_space<vmem>>
      %dma_wait3A_131 = tpu.memref_squeeze %dma_wait3A_130 : memref<1x125xi32, #tpu.memory_space<vmem>> -> memref<125xi32, #tpu.memory_space<vmem>>
      %dma_wait3A_132 = arith.constant 0 : i32
      %dma_wait3A_133 = arith.constant 0 : i32
      %dma_wait3A_134 = tpu.memref_slice %arg8[%dma_wait3A_132, %dma_wait3A_133] : memref<10240x128xf32, #tpu.memory_space<vmem_shared>> -> memref<10240x128xf32, #tpu.memory_space<vmem_shared>>
      tpu.wait_indirect_dma semaphore(%arg9 : memref<!tpu.dma_semaphore, #tpu.memory_space<semaphore_mem>>) src(%arg7 : memref<125x128xf32, #tpu.memory_space<vmem>>) dst(%dma_wait3A_134 : memref<10240x128xf32, #tpu.memory_space<vmem_shared>>)
    }
    %scan3A_5 = arith.constant 10 : i32
    %barrier3A_6 = arith.constant 0 : index
    tpu.barrier barrier_id(%barrier3A_6)
    "tpu.region"() ({
      %run_scoped3A = tpu.sem_alloc : memref<!tpu.dma_semaphore, #tpu.memory_space<semaphore_mem>>
      %dma_start3A = arith.constant 0 : i32
      %dma_start3A_7 = arith.constant 0 : i32
      %dma_start3A_8 = arith.constant 0 : i32
      %dma_start3A_9 = tpu.memref_slice %arg5[%arg0, %dma_start3A, %dma_start3A_7, %dma_start3A_8] : memref<2x16x640x128xf32, #tpu.memory_space<hbm>> -> memref<1x16x640x128xf32, #tpu.memory_space<hbm>>
      %dma_start3A_10 = tpu.memref_squeeze %dma_start3A_9 : memref<1x16x640x128xf32, #tpu.memory_space<hbm>> -> memref<16x640x128xf32, #tpu.memory_space<hbm>>
      %dma_start3A_11 = arith.constant 0 : i32
      %dma_start3A_12 = arith.constant 0 : i32
      %dma_start3A_13 = tpu.memref_slice %dma_start3A_10[%arg1, %dma_start3A_11, %dma_start3A_12] : memref<16x640x128xf32, #tpu.memory_space<hbm>> -> memref<1x640x128xf32, #tpu.memory_space<hbm>>
      %dma_start3A_14 = tpu.memref_squeeze %dma_start3A_13 : memref<1x640x128xf32, #tpu.memory_space<hbm>> -> memref<640x128xf32, #tpu.memory_space<hbm>>
      %dma_start3A_15 = arith.constant 0 : i32
      %dma_start3A_16 = tpu.memref_slice %arg8[%mul3A_0, %dma_start3A_15] : memref<10240x128xf32, #tpu.memory_space<vmem_shared>> -> memref<640x128xf32, #tpu.memory_space<vmem_shared>>
      tpu.enqueue_dma source(%dma_start3A_16 : memref<640x128xf32, #tpu.memory_space<vmem_shared>>) target(%dma_start3A_14 : memref<640x128xf32, #tpu.memory_space<hbm>>) target_semaphore(%run_scoped3A : memref<!tpu.dma_semaphore, #tpu.memory_space<semaphore_mem>>)
      %dma_wait3A = arith.constant 0 : i32
      %dma_wait3A_17 = arith.constant 0 : i32
      %dma_wait3A_18 = arith.constant 0 : i32
      %dma_wait3A_19 = tpu.memref_slice %arg5[%arg0, %dma_wait3A, %dma_wait3A_17, %dma_wait3A_18] : memref<2x16x640x128xf32, #tpu.memory_space<hbm>> -> memref<1x16x640x128xf32, #tpu.memory_space<hbm>>
      %dma_wait3A_20 = tpu.memref_squeeze %dma_wait3A_19 : memref<1x16x640x128xf32, #tpu.memory_space<hbm>> -> memref<16x640x128xf32, #tpu.memory_space<hbm>>
      %dma_wait3A_21 = arith.constant 0 : i32
      %dma_wait3A_22 = arith.constant 0 : i32
      %dma_wait3A_23 = tpu.memref_slice %dma_wait3A_20[%arg1, %dma_wait3A_21, %dma_wait3A_22] : memref<16x640x128xf32, #tpu.memory_space<hbm>> -> memref<1x640x128xf32, #tpu.memory_space<hbm>>
      %dma_wait3A_24 = tpu.memref_squeeze %dma_wait3A_23 : memref<1x640x128xf32, #tpu.memory_space<hbm>> -> memref<640x128xf32, #tpu.memory_space<hbm>>
      %dma_wait3A_25 = arith.constant 0 : i32
      %dma_wait3A_26 = tpu.memref_slice %arg8[%mul3A_0, %dma_wait3A_25] : memref<10240x128xf32, #tpu.memory_space<vmem_shared>> -> memref<640x128xf32, #tpu.memory_space<vmem_shared>>
      tpu.wait_dma2 semaphore(%run_scoped3A : memref<!tpu.dma_semaphore, #tpu.memory_space<semaphore_mem>>) src(%dma_wait3A_26 : memref<640x128xf32, #tpu.memory_space<vmem_shared>>) dst(%dma_wait3A_24 : memref<640x128xf32, #tpu.memory_space<hbm>>)
      tpu.yield
    }) : () -> ()
    return
  }
}

#map = affine_map<(d0, d1) -> (0, 0)>
#map1 = affine_map<(d0, d1) -> (0, 0, 0, 0, 0)>
#map2 = affine_map<(d0, d1) -> (0, 0, 0, 0)>
#map3 = affine_map<(d0, d1) -> (0, 0, 0)>
module attributes {stable_mosaic.version = 14 : i64} {
  func.func @_prop_body(%arg0: i32, %arg1: i32, %arg2: memref<20480x128xf32, #tpu.memory_space<hbm>>, %arg3: memref<2x16x8x25x100xi32, #tpu.memory_space<hbm>>, %arg4: memref<16x8x25x100xi32, #tpu.memory_space<hbm>>, %arg5: memref<16x640x128xf32, #tpu.memory_space<hbm>>, %arg6: memref<2x16x640x128xf32, #tpu.memory_space<hbm>>, %arg7: memref<25x100xi32, #tpu.memory_space<vmem>>, %arg8: memref<25x100xi32, #tpu.memory_space<vmem>>, %arg9: memref<100x128xf32, #tpu.memory_space<vmem>>, %arg10: memref<100x128xf32, #tpu.memory_space<vmem>>, %arg11: memref<100x128xf32, #tpu.memory_space<vmem>>, %arg12: memref<10240x128xf32, #tpu.memory_space<vmem_shared>>, %arg13: memref<!tpu.dma_semaphore, #tpu.memory_space<semaphore_mem>>, %arg14: memref<!tpu.dma_semaphore, #tpu.memory_space<semaphore_mem>>, %arg15: memref<!tpu.dma_semaphore, #tpu.memory_space<semaphore_mem>>, %arg16: memref<!tpu.dma_semaphore, #tpu.memory_space<semaphore_mem>>) attributes {dimension_semantics = [#tpu.dimension_semantics<core_parallel>, #tpu.dimension_semantics<subcore_parallel>], iteration_bounds = array<i64: 2, 16>, scalar_prefetch = 0 : i64, scratch_operands = 10 : i64, tpu.core_type = #tpu.core_type<sc_vector_subcore>, window_params = [{transform_indices = #map}, {transform_indices = #map1}, {transform_indices = #map2}, {transform_indices = #map3}, {transform_indices = #map2}]} {
    %mul3A = arith.constant 640 : i32
    %mul3A_0 = arith.muli %arg1, %mul3A : i32
    "tpu.region"() ({
      %run_scoped3A = tpu.sem_alloc : memref<!tpu.dma_semaphore, #tpu.memory_space<semaphore_mem>>
      %dma_start3A = arith.constant 0 : i32
      %dma_start3A_7 = tpu.memref_slice %arg12[%mul3A_0, %dma_start3A] : memref<10240x128xf32, #tpu.memory_space<vmem_shared>> -> memref<640x128xf32, #tpu.memory_space<vmem_shared>>
      %dma_start3A_8 = arith.constant 0 : i32
      %dma_start3A_9 = arith.constant 0 : i32
      %dma_start3A_10 = tpu.memref_slice %arg5[%arg1, %dma_start3A_8, %dma_start3A_9] : memref<16x640x128xf32, #tpu.memory_space<hbm>> -> memref<1x640x128xf32, #tpu.memory_space<hbm>>
      %dma_start3A_11 = tpu.memref_squeeze %dma_start3A_10 : memref<1x640x128xf32, #tpu.memory_space<hbm>> -> memref<640x128xf32, #tpu.memory_space<hbm>>
      tpu.enqueue_dma source(%dma_start3A_11 : memref<640x128xf32, #tpu.memory_space<hbm>>) target(%dma_start3A_7 : memref<640x128xf32, #tpu.memory_space<vmem_shared>>) target_semaphore(%run_scoped3A : memref<!tpu.dma_semaphore, #tpu.memory_space<semaphore_mem>>)
      %dma_wait3A = arith.constant 0 : i32
      %dma_wait3A_12 = tpu.memref_slice %arg12[%mul3A_0, %dma_wait3A] : memref<10240x128xf32, #tpu.memory_space<vmem_shared>> -> memref<640x128xf32, #tpu.memory_space<vmem_shared>>
      %dma_wait3A_13 = arith.constant 0 : i32
      %dma_wait3A_14 = arith.constant 0 : i32
      %dma_wait3A_15 = tpu.memref_slice %arg5[%arg1, %dma_wait3A_13, %dma_wait3A_14] : memref<16x640x128xf32, #tpu.memory_space<hbm>> -> memref<1x640x128xf32, #tpu.memory_space<hbm>>
      %dma_wait3A_16 = tpu.memref_squeeze %dma_wait3A_15 : memref<1x640x128xf32, #tpu.memory_space<hbm>> -> memref<640x128xf32, #tpu.memory_space<hbm>>
      tpu.wait_dma2 semaphore(%run_scoped3A : memref<!tpu.dma_semaphore, #tpu.memory_space<semaphore_mem>>) src(%dma_wait3A_16 : memref<640x128xf32, #tpu.memory_space<hbm>>) dst(%dma_wait3A_12 : memref<640x128xf32, #tpu.memory_space<vmem_shared>>)
      tpu.yield
    }) : () -> ()
    %barrier3A = arith.constant 0 : index
    tpu.barrier barrier_id(%barrier3A)
    %scan3A = arith.constant 0 : i32
    %scan3A_1 = arith.constant 0 : i32
    %scan3A_2 = arith.constant 8 : i32
    %scan3A_3 = arith.addi %scan3A_1, %scan3A_2 : i32
    %scan3A_4 = arith.constant 1 : i32
    scf.for %scan3A_7 = %scan3A_1 to %scan3A_3 step %scan3A_4  : i32 {
      "tpu.region"() ({
        %run_scoped3A = tpu.sem_alloc : memref<!tpu.dma_semaphore, #tpu.memory_space<semaphore_mem>>
        %dma_start3A_32 = arith.constant 0 : i32
        %dma_start3A_33 = arith.constant 0 : i32
        %dma_start3A_34 = arith.constant 0 : i32
        %dma_start3A_35 = arith.constant 0 : i32
        %dma_start3A_36 = tpu.memref_slice %arg3[%arg0, %dma_start3A_32, %dma_start3A_33, %dma_start3A_34, %dma_start3A_35] : memref<2x16x8x25x100xi32, #tpu.memory_space<hbm>> -> memref<1x16x8x25x100xi32, #tpu.memory_space<hbm>>
        %dma_start3A_37 = tpu.memref_squeeze %dma_start3A_36 : memref<1x16x8x25x100xi32, #tpu.memory_space<hbm>> -> memref<16x8x25x100xi32, #tpu.memory_space<hbm>>
        %dma_start3A_38 = arith.constant 0 : i32
        %dma_start3A_39 = arith.constant 0 : i32
        %dma_start3A_40 = arith.constant 0 : i32
        %dma_start3A_41 = tpu.memref_slice %dma_start3A_37[%arg1, %dma_start3A_38, %dma_start3A_39, %dma_start3A_40] : memref<16x8x25x100xi32, #tpu.memory_space<hbm>> -> memref<1x8x25x100xi32, #tpu.memory_space<hbm>>
        %dma_start3A_42 = tpu.memref_squeeze %dma_start3A_41 : memref<1x8x25x100xi32, #tpu.memory_space<hbm>> -> memref<8x25x100xi32, #tpu.memory_space<hbm>>
        %dma_start3A_43 = arith.constant 0 : i32
        %dma_start3A_44 = arith.constant 0 : i32
        %dma_start3A_45 = tpu.memref_slice %dma_start3A_42[%scan3A_7, %dma_start3A_43, %dma_start3A_44] : memref<8x25x100xi32, #tpu.memory_space<hbm>> -> memref<1x25x100xi32, #tpu.memory_space<hbm>>
        %dma_start3A_46 = tpu.memref_squeeze %dma_start3A_45 : memref<1x25x100xi32, #tpu.memory_space<hbm>> -> memref<25x100xi32, #tpu.memory_space<hbm>>
        %dma_start3A_47 = arith.constant 0 : i32
        %dma_start3A_48 = arith.constant 0 : i32
        %dma_start3A_49 = arith.constant 0 : i32
        %dma_start3A_50 = arith.constant 0 : i32
        %dma_start3A_51 = tpu.memref_slice %arg3[%arg0, %dma_start3A_47, %dma_start3A_48, %dma_start3A_49, %dma_start3A_50] : memref<2x16x8x25x100xi32, #tpu.memory_space<hbm>> -> memref<1x16x8x25x100xi32, #tpu.memory_space<hbm>>
        %dma_start3A_52 = tpu.memref_squeeze %dma_start3A_51 : memref<1x16x8x25x100xi32, #tpu.memory_space<hbm>> -> memref<16x8x25x100xi32, #tpu.memory_space<hbm>>
        %dma_start3A_53 = arith.constant 0 : i32
        %dma_start3A_54 = arith.constant 0 : i32
        %dma_start3A_55 = arith.constant 0 : i32
        %dma_start3A_56 = tpu.memref_slice %dma_start3A_52[%arg1, %dma_start3A_53, %dma_start3A_54, %dma_start3A_55] : memref<16x8x25x100xi32, #tpu.memory_space<hbm>> -> memref<1x8x25x100xi32, #tpu.memory_space<hbm>>
        %dma_start3A_57 = tpu.memref_squeeze %dma_start3A_56 : memref<1x8x25x100xi32, #tpu.memory_space<hbm>> -> memref<8x25x100xi32, #tpu.memory_space<hbm>>
        %dma_start3A_58 = arith.constant 0 : i32
        %dma_start3A_59 = arith.constant 0 : i32
        %dma_start3A_60 = tpu.memref_slice %dma_start3A_57[%scan3A_7, %dma_start3A_58, %dma_start3A_59] : memref<8x25x100xi32, #tpu.memory_space<hbm>> -> memref<1x25x100xi32, #tpu.memory_space<hbm>>
        %dma_start3A_61 = tpu.memref_squeeze %dma_start3A_60 : memref<1x25x100xi32, #tpu.memory_space<hbm>> -> memref<25x100xi32, #tpu.memory_space<hbm>>
        tpu.enqueue_dma source(%dma_start3A_61 : memref<25x100xi32, #tpu.memory_space<hbm>>) target(%arg7 : memref<25x100xi32, #tpu.memory_space<vmem>>) target_semaphore(%run_scoped3A : memref<!tpu.dma_semaphore, #tpu.memory_space<semaphore_mem>>)
        %dma_wait3A_62 = arith.constant 0 : i32
        %dma_wait3A_63 = arith.constant 0 : i32
        %dma_wait3A_64 = arith.constant 0 : i32
        %dma_wait3A_65 = arith.constant 0 : i32
        %dma_wait3A_66 = tpu.memref_slice %arg3[%arg0, %dma_wait3A_62, %dma_wait3A_63, %dma_wait3A_64, %dma_wait3A_65] : memref<2x16x8x25x100xi32, #tpu.memory_space<hbm>> -> memref<1x16x8x25x100xi32, #tpu.memory_space<hbm>>
        %dma_wait3A_67 = tpu.memref_squeeze %dma_wait3A_66 : memref<1x16x8x25x100xi32, #tpu.memory_space<hbm>> -> memref<16x8x25x100xi32, #tpu.memory_space<hbm>>
        %dma_wait3A_68 = arith.constant 0 : i32
        %dma_wait3A_69 = arith.constant 0 : i32
        %dma_wait3A_70 = arith.constant 0 : i32
        %dma_wait3A_71 = tpu.memref_slice %dma_wait3A_67[%arg1, %dma_wait3A_68, %dma_wait3A_69, %dma_wait3A_70] : memref<16x8x25x100xi32, #tpu.memory_space<hbm>> -> memref<1x8x25x100xi32, #tpu.memory_space<hbm>>
        %dma_wait3A_72 = tpu.memref_squeeze %dma_wait3A_71 : memref<1x8x25x100xi32, #tpu.memory_space<hbm>> -> memref<8x25x100xi32, #tpu.memory_space<hbm>>
        %dma_wait3A_73 = arith.constant 0 : i32
        %dma_wait3A_74 = arith.constant 0 : i32
        %dma_wait3A_75 = tpu.memref_slice %dma_wait3A_72[%scan3A_7, %dma_wait3A_73, %dma_wait3A_74] : memref<8x25x100xi32, #tpu.memory_space<hbm>> -> memref<1x25x100xi32, #tpu.memory_space<hbm>>
        %dma_wait3A_76 = tpu.memref_squeeze %dma_wait3A_75 : memref<1x25x100xi32, #tpu.memory_space<hbm>> -> memref<25x100xi32, #tpu.memory_space<hbm>>
        %dma_wait3A_77 = arith.constant 0 : i32
        %dma_wait3A_78 = arith.constant 0 : i32
        %dma_wait3A_79 = arith.constant 0 : i32
        %dma_wait3A_80 = arith.constant 0 : i32
        %dma_wait3A_81 = tpu.memref_slice %arg3[%arg0, %dma_wait3A_77, %dma_wait3A_78, %dma_wait3A_79, %dma_wait3A_80] : memref<2x16x8x25x100xi32, #tpu.memory_space<hbm>> -> memref<1x16x8x25x100xi32, #tpu.memory_space<hbm>>
        %dma_wait3A_82 = tpu.memref_squeeze %dma_wait3A_81 : memref<1x16x8x25x100xi32, #tpu.memory_space<hbm>> -> memref<16x8x25x100xi32, #tpu.memory_space<hbm>>
        %dma_wait3A_83 = arith.constant 0 : i32
        %dma_wait3A_84 = arith.constant 0 : i32
        %dma_wait3A_85 = arith.constant 0 : i32
        %dma_wait3A_86 = tpu.memref_slice %dma_wait3A_82[%arg1, %dma_wait3A_83, %dma_wait3A_84, %dma_wait3A_85] : memref<16x8x25x100xi32, #tpu.memory_space<hbm>> -> memref<1x8x25x100xi32, #tpu.memory_space<hbm>>
        %dma_wait3A_87 = tpu.memref_squeeze %dma_wait3A_86 : memref<1x8x25x100xi32, #tpu.memory_space<hbm>> -> memref<8x25x100xi32, #tpu.memory_space<hbm>>
        %dma_wait3A_88 = arith.constant 0 : i32
        %dma_wait3A_89 = arith.constant 0 : i32
        %dma_wait3A_90 = tpu.memref_slice %dma_wait3A_87[%scan3A_7, %dma_wait3A_88, %dma_wait3A_89] : memref<8x25x100xi32, #tpu.memory_space<hbm>> -> memref<1x25x100xi32, #tpu.memory_space<hbm>>
        %dma_wait3A_91 = tpu.memref_squeeze %dma_wait3A_90 : memref<1x25x100xi32, #tpu.memory_space<hbm>> -> memref<25x100xi32, #tpu.memory_space<hbm>>
        tpu.wait_dma2 semaphore(%run_scoped3A : memref<!tpu.dma_semaphore, #tpu.memory_space<semaphore_mem>>) src(%dma_wait3A_91 : memref<25x100xi32, #tpu.memory_space<hbm>>) dst(%arg7 : memref<25x100xi32, #tpu.memory_space<vmem>>)
        tpu.yield
      }) : () -> ()
      "tpu.region"() ({
        %run_scoped3A = tpu.sem_alloc : memref<!tpu.dma_semaphore, #tpu.memory_space<semaphore_mem>>
        %dma_start3A_32 = arith.constant 0 : i32
        %dma_start3A_33 = arith.constant 0 : i32
        %dma_start3A_34 = arith.constant 0 : i32
        %dma_start3A_35 = tpu.memref_slice %arg4[%arg1, %dma_start3A_32, %dma_start3A_33, %dma_start3A_34] : memref<16x8x25x100xi32, #tpu.memory_space<hbm>> -> memref<1x8x25x100xi32, #tpu.memory_space<hbm>>
        %dma_start3A_36 = tpu.memref_squeeze %dma_start3A_35 : memref<1x8x25x100xi32, #tpu.memory_space<hbm>> -> memref<8x25x100xi32, #tpu.memory_space<hbm>>
        %dma_start3A_37 = arith.constant 0 : i32
        %dma_start3A_38 = arith.constant 0 : i32
        %dma_start3A_39 = tpu.memref_slice %dma_start3A_36[%scan3A_7, %dma_start3A_37, %dma_start3A_38] : memref<8x25x100xi32, #tpu.memory_space<hbm>> -> memref<1x25x100xi32, #tpu.memory_space<hbm>>
        %dma_start3A_40 = tpu.memref_squeeze %dma_start3A_39 : memref<1x25x100xi32, #tpu.memory_space<hbm>> -> memref<25x100xi32, #tpu.memory_space<hbm>>
        %dma_start3A_41 = arith.constant 0 : i32
        %dma_start3A_42 = arith.constant 0 : i32
        %dma_start3A_43 = arith.constant 0 : i32
        %dma_start3A_44 = tpu.memref_slice %arg4[%arg1, %dma_start3A_41, %dma_start3A_42, %dma_start3A_43] : memref<16x8x25x100xi32, #tpu.memory_space<hbm>> -> memref<1x8x25x100xi32, #tpu.memory_space<hbm>>
        %dma_start3A_45 = tpu.memref_squeeze %dma_start3A_44 : memref<1x8x25x100xi32, #tpu.memory_space<hbm>> -> memref<8x25x100xi32, #tpu.memory_space<hbm>>
        %dma_start3A_46 = arith.constant 0 : i32
        %dma_start3A_47 = arith.constant 0 : i32
        %dma_start3A_48 = tpu.memref_slice %dma_start3A_45[%scan3A_7, %dma_start3A_46, %dma_start3A_47] : memref<8x25x100xi32, #tpu.memory_space<hbm>> -> memref<1x25x100xi32, #tpu.memory_space<hbm>>
        %dma_start3A_49 = tpu.memref_squeeze %dma_start3A_48 : memref<1x25x100xi32, #tpu.memory_space<hbm>> -> memref<25x100xi32, #tpu.memory_space<hbm>>
        tpu.enqueue_dma source(%dma_start3A_49 : memref<25x100xi32, #tpu.memory_space<hbm>>) target(%arg8 : memref<25x100xi32, #tpu.memory_space<vmem>>) target_semaphore(%run_scoped3A : memref<!tpu.dma_semaphore, #tpu.memory_space<semaphore_mem>>)
        %dma_wait3A_50 = arith.constant 0 : i32
        %dma_wait3A_51 = arith.constant 0 : i32
        %dma_wait3A_52 = arith.constant 0 : i32
        %dma_wait3A_53 = tpu.memref_slice %arg4[%arg1, %dma_wait3A_50, %dma_wait3A_51, %dma_wait3A_52] : memref<16x8x25x100xi32, #tpu.memory_space<hbm>> -> memref<1x8x25x100xi32, #tpu.memory_space<hbm>>
        %dma_wait3A_54 = tpu.memref_squeeze %dma_wait3A_53 : memref<1x8x25x100xi32, #tpu.memory_space<hbm>> -> memref<8x25x100xi32, #tpu.memory_space<hbm>>
        %dma_wait3A_55 = arith.constant 0 : i32
        %dma_wait3A_56 = arith.constant 0 : i32
        %dma_wait3A_57 = tpu.memref_slice %dma_wait3A_54[%scan3A_7, %dma_wait3A_55, %dma_wait3A_56] : memref<8x25x100xi32, #tpu.memory_space<hbm>> -> memref<1x25x100xi32, #tpu.memory_space<hbm>>
        %dma_wait3A_58 = tpu.memref_squeeze %dma_wait3A_57 : memref<1x25x100xi32, #tpu.memory_space<hbm>> -> memref<25x100xi32, #tpu.memory_space<hbm>>
        %dma_wait3A_59 = arith.constant 0 : i32
        %dma_wait3A_60 = arith.constant 0 : i32
        %dma_wait3A_61 = arith.constant 0 : i32
        %dma_wait3A_62 = tpu.memref_slice %arg4[%arg1, %dma_wait3A_59, %dma_wait3A_60, %dma_wait3A_61] : memref<16x8x25x100xi32, #tpu.memory_space<hbm>> -> memref<1x8x25x100xi32, #tpu.memory_space<hbm>>
        %dma_wait3A_63 = tpu.memref_squeeze %dma_wait3A_62 : memref<1x8x25x100xi32, #tpu.memory_space<hbm>> -> memref<8x25x100xi32, #tpu.memory_space<hbm>>
        %dma_wait3A_64 = arith.constant 0 : i32
        %dma_wait3A_65 = arith.constant 0 : i32
        %dma_wait3A_66 = tpu.memref_slice %dma_wait3A_63[%scan3A_7, %dma_wait3A_64, %dma_wait3A_65] : memref<8x25x100xi32, #tpu.memory_space<hbm>> -> memref<1x25x100xi32, #tpu.memory_space<hbm>>
        %dma_wait3A_67 = tpu.memref_squeeze %dma_wait3A_66 : memref<1x25x100xi32, #tpu.memory_space<hbm>> -> memref<25x100xi32, #tpu.memory_space<hbm>>
        tpu.wait_dma2 semaphore(%run_scoped3A : memref<!tpu.dma_semaphore, #tpu.memory_space<semaphore_mem>>) src(%dma_wait3A_67 : memref<25x100xi32, #tpu.memory_space<hbm>>) dst(%arg8 : memref<25x100xi32, #tpu.memory_space<vmem>>)
        tpu.yield
      }) : () -> ()
      %dma_start3A = arith.constant 0 : i32
      %dma_start3A_8 = arith.constant 0 : i32
      %dma_start3A_9 = tpu.memref_slice %arg7[%dma_start3A, %dma_start3A_8] : memref<25x100xi32, #tpu.memory_space<vmem>> -> memref<1x100xi32, #tpu.memory_space<vmem>>
      %dma_start3A_10 = tpu.memref_squeeze %dma_start3A_9 : memref<1x100xi32, #tpu.memory_space<vmem>> -> memref<100xi32, #tpu.memory_space<vmem>>
      %dma_start3A_11 = arith.constant 0 : i32
      %dma_start3A_12 = arith.constant 0 : i32
      %dma_start3A_13 = tpu.memref_slice %arg2[%dma_start3A_11, %dma_start3A_12] : memref<20480x128xf32, #tpu.memory_space<hbm>> -> memref<20480x128xf32, #tpu.memory_space<hbm>>
      tpu.enqueue_indirect_dma source(%dma_start3A_13 : memref<20480x128xf32, #tpu.memory_space<hbm>>) target(%arg9 : memref<100x128xf32, #tpu.memory_space<vmem>>) offsets(%dma_start3A_10 : memref<100xi32, #tpu.memory_space<vmem>>) semaphore(%arg13 : memref<!tpu.dma_semaphore, #tpu.memory_space<semaphore_mem>>)
      %dma_start3A_14 = arith.constant 1 : i32
      %dma_start3A_15 = arith.constant 0 : i32
      %dma_start3A_16 = tpu.memref_slice %arg7[%dma_start3A_14, %dma_start3A_15] : memref<25x100xi32, #tpu.memory_space<vmem>> -> memref<1x100xi32, #tpu.memory_space<vmem>>
      %dma_start3A_17 = tpu.memref_squeeze %dma_start3A_16 : memref<1x100xi32, #tpu.memory_space<vmem>> -> memref<100xi32, #tpu.memory_space<vmem>>
      %dma_start3A_18 = arith.constant 0 : i32
      %dma_start3A_19 = arith.constant 0 : i32
      %dma_start3A_20 = tpu.memref_slice %arg2[%dma_start3A_18, %dma_start3A_19] : memref<20480x128xf32, #tpu.memory_space<hbm>> -> memref<20480x128xf32, #tpu.memory_space<hbm>>
      tpu.enqueue_indirect_dma source(%dma_start3A_20 : memref<20480x128xf32, #tpu.memory_space<hbm>>) target(%arg10 : memref<100x128xf32, #tpu.memory_space<vmem>>) offsets(%dma_start3A_17 : memref<100xi32, #tpu.memory_space<vmem>>) semaphore(%arg14 : memref<!tpu.dma_semaphore, #tpu.memory_space<semaphore_mem>>)
      %scan3A_21 = arith.constant 0 : i32
      %scan3A_22 = arith.constant 25 : i32
      %scan3A_23 = arith.addi %scan3A_21, %scan3A_22 : i32
      %scan3A_24 = arith.constant 1 : i32
      scf.for %scan3A_32 = %scan3A_21 to %scan3A_23 step %scan3A_24  : i32 {
        %rem3A = arith.constant 3 : i32
        %rem3A_33 = arith.remsi %scan3A_32, %rem3A : i32
        %eq3A = arith.constant 0 : i32
        %eq3A_34 = arith.cmpi eq, %rem3A_33, %eq3A : i32
        %convert_element_type3A = arith.extui %eq3A_34 : i1 to i32
        %cond3A = arith.constant 0 : i32
        %cond3A_35 = arith.cmpi ne, %convert_element_type3A, %cond3A : i32
        scf.if %cond3A_35 {
          %dma_wait3A_46 = arith.constant 0 : i32
          %dma_wait3A_47 = tpu.memref_slice %arg7[%scan3A_32, %dma_wait3A_46] : memref<25x100xi32, #tpu.memory_space<vmem>> -> memref<1x100xi32, #tpu.memory_space<vmem>>
          %dma_wait3A_48 = tpu.memref_squeeze %dma_wait3A_47 : memref<1x100xi32, #tpu.memory_space<vmem>> -> memref<100xi32, #tpu.memory_space<vmem>>
          %dma_wait3A_49 = arith.constant 0 : i32
          %dma_wait3A_50 = arith.constant 0 : i32
          %dma_wait3A_51 = tpu.memref_slice %arg2[%dma_wait3A_49, %dma_wait3A_50] : memref<20480x128xf32, #tpu.memory_space<hbm>> -> memref<20480x128xf32, #tpu.memory_space<hbm>>
          tpu.wait_indirect_dma semaphore(%arg13 : memref<!tpu.dma_semaphore, #tpu.memory_space<semaphore_mem>>) src(%dma_wait3A_51 : memref<20480x128xf32, #tpu.memory_space<hbm>>) dst(%arg9 : memref<100x128xf32, #tpu.memory_space<vmem>>)
          %dma_start3A_52 = arith.constant 0 : i32
          %dma_start3A_53 = tpu.memref_slice %arg8[%scan3A_32, %dma_start3A_52] : memref<25x100xi32, #tpu.memory_space<vmem>> -> memref<1x100xi32, #tpu.memory_space<vmem>>
          %dma_start3A_54 = tpu.memref_squeeze %dma_start3A_53 : memref<1x100xi32, #tpu.memory_space<vmem>> -> memref<100xi32, #tpu.memory_space<vmem>>
          %dma_start3A_55 = arith.constant 0 : i32
          %dma_start3A_56 = arith.constant 0 : i32
          %dma_start3A_57 = tpu.memref_slice %arg12[%dma_start3A_55, %dma_start3A_56] : memref<10240x128xf32, #tpu.memory_space<vmem_shared>> -> memref<10240x128xf32, #tpu.memory_space<vmem_shared>>
          tpu.enqueue_indirect_dma source(%arg9 : memref<100x128xf32, #tpu.memory_space<vmem>>) target(%dma_start3A_57 : memref<10240x128xf32, #tpu.memory_space<vmem_shared>>) offsets(%dma_start3A_54 : memref<100xi32, #tpu.memory_space<vmem>>) semaphore(%arg16 : memref<!tpu.dma_semaphore, #tpu.memory_space<semaphore_mem>>) {add = true}
          %ge3A = arith.constant 1 : i32
          %ge3A_58 = arith.cmpi sge, %scan3A_32, %ge3A : i32
          %convert_element_type3A_59 = arith.extui %ge3A_58 : i1 to i32
          %cond3A_60 = arith.constant 0 : i32
          %cond3A_61 = arith.cmpi ne, %convert_element_type3A_59, %cond3A_60 : i32
          scf.if %cond3A_61 {
            %dma_wait3A_67 = arith.constant 0 : i32
            %dma_wait3A_68 = tpu.memref_slice %arg8[%scan3A_32, %dma_wait3A_67] : memref<25x100xi32, #tpu.memory_space<vmem>> -> memref<1x100xi32, #tpu.memory_space<vmem>>
            %dma_wait3A_69 = tpu.memref_squeeze %dma_wait3A_68 : memref<1x100xi32, #tpu.memory_space<vmem>> -> memref<100xi32, #tpu.memory_space<vmem>>
            %dma_wait3A_70 = arith.constant 0 : i32
            %dma_wait3A_71 = arith.constant 0 : i32
            %dma_wait3A_72 = tpu.memref_slice %arg12[%dma_wait3A_70, %dma_wait3A_71] : memref<10240x128xf32, #tpu.memory_space<vmem_shared>> -> memref<10240x128xf32, #tpu.memory_space<vmem_shared>>
            tpu.wait_indirect_dma semaphore(%arg16 : memref<!tpu.dma_semaphore, #tpu.memory_space<semaphore_mem>>) src(%arg11 : memref<100x128xf32, #tpu.memory_space<vmem>>) dst(%dma_wait3A_72 : memref<10240x128xf32, #tpu.memory_space<vmem_shared>>)
          } else {
          }
          %add3A = arith.constant 2 : i32
          %add3A_62 = arith.addi %scan3A_32, %add3A : i32
          %lt3A = arith.constant 25 : i32
          %lt3A_63 = arith.cmpi slt, %add3A_62, %lt3A : i32
          %convert_element_type3A_64 = arith.extui %lt3A_63 : i1 to i32
          %cond3A_65 = arith.constant 0 : i32
          %cond3A_66 = arith.cmpi ne, %convert_element_type3A_64, %cond3A_65 : i32
          scf.if %cond3A_66 {
            %add3A_67 = arith.constant 2 : i32
            %add3A_68 = arith.addi %scan3A_32, %add3A_67 : i32
            %dma_start3A_69 = arith.constant 0 : i32
            %dma_start3A_70 = tpu.memref_slice %arg7[%add3A_68, %dma_start3A_69] : memref<25x100xi32, #tpu.memory_space<vmem>> -> memref<1x100xi32, #tpu.memory_space<vmem>>
            %dma_start3A_71 = tpu.memref_squeeze %dma_start3A_70 : memref<1x100xi32, #tpu.memory_space<vmem>> -> memref<100xi32, #tpu.memory_space<vmem>>
            %dma_start3A_72 = arith.constant 0 : i32
            %dma_start3A_73 = arith.constant 0 : i32
            %dma_start3A_74 = tpu.memref_slice %arg2[%dma_start3A_72, %dma_start3A_73] : memref<20480x128xf32, #tpu.memory_space<hbm>> -> memref<20480x128xf32, #tpu.memory_space<hbm>>
            tpu.enqueue_indirect_dma source(%dma_start3A_74 : memref<20480x128xf32, #tpu.memory_space<hbm>>) target(%arg11 : memref<100x128xf32, #tpu.memory_space<vmem>>) offsets(%dma_start3A_71 : memref<100xi32, #tpu.memory_space<vmem>>) semaphore(%arg15 : memref<!tpu.dma_semaphore, #tpu.memory_space<semaphore_mem>>)
          } else {
          }
        } else {
        }
        %eq3A_36 = arith.constant 1 : i32
        %eq3A_37 = arith.cmpi eq, %rem3A_33, %eq3A_36 : i32
        %convert_element_type3A_38 = arith.extui %eq3A_37 : i1 to i32
        %cond3A_39 = arith.constant 0 : i32
        %cond3A_40 = arith.cmpi ne, %convert_element_type3A_38, %cond3A_39 : i32
        scf.if %cond3A_40 {
          %dma_wait3A_46 = arith.constant 0 : i32
          %dma_wait3A_47 = tpu.memref_slice %arg7[%scan3A_32, %dma_wait3A_46] : memref<25x100xi32, #tpu.memory_space<vmem>> -> memref<1x100xi32, #tpu.memory_space<vmem>>
          %dma_wait3A_48 = tpu.memref_squeeze %dma_wait3A_47 : memref<1x100xi32, #tpu.memory_space<vmem>> -> memref<100xi32, #tpu.memory_space<vmem>>
          %dma_wait3A_49 = arith.constant 0 : i32
          %dma_wait3A_50 = arith.constant 0 : i32
          %dma_wait3A_51 = tpu.memref_slice %arg2[%dma_wait3A_49, %dma_wait3A_50] : memref<20480x128xf32, #tpu.memory_space<hbm>> -> memref<20480x128xf32, #tpu.memory_space<hbm>>
          tpu.wait_indirect_dma semaphore(%arg14 : memref<!tpu.dma_semaphore, #tpu.memory_space<semaphore_mem>>) src(%dma_wait3A_51 : memref<20480x128xf32, #tpu.memory_space<hbm>>) dst(%arg10 : memref<100x128xf32, #tpu.memory_space<vmem>>)
          %dma_start3A_52 = arith.constant 0 : i32
          %dma_start3A_53 = tpu.memref_slice %arg8[%scan3A_32, %dma_start3A_52] : memref<25x100xi32, #tpu.memory_space<vmem>> -> memref<1x100xi32, #tpu.memory_space<vmem>>
          %dma_start3A_54 = tpu.memref_squeeze %dma_start3A_53 : memref<1x100xi32, #tpu.memory_space<vmem>> -> memref<100xi32, #tpu.memory_space<vmem>>
          %dma_start3A_55 = arith.constant 0 : i32
          %dma_start3A_56 = arith.constant 0 : i32
          %dma_start3A_57 = tpu.memref_slice %arg12[%dma_start3A_55, %dma_start3A_56] : memref<10240x128xf32, #tpu.memory_space<vmem_shared>> -> memref<10240x128xf32, #tpu.memory_space<vmem_shared>>
          tpu.enqueue_indirect_dma source(%arg10 : memref<100x128xf32, #tpu.memory_space<vmem>>) target(%dma_start3A_57 : memref<10240x128xf32, #tpu.memory_space<vmem_shared>>) offsets(%dma_start3A_54 : memref<100xi32, #tpu.memory_space<vmem>>) semaphore(%arg16 : memref<!tpu.dma_semaphore, #tpu.memory_space<semaphore_mem>>) {add = true}
          %ge3A = arith.constant 1 : i32
          %ge3A_58 = arith.cmpi sge, %scan3A_32, %ge3A : i32
          %convert_element_type3A_59 = arith.extui %ge3A_58 : i1 to i32
          %cond3A_60 = arith.constant 0 : i32
          %cond3A_61 = arith.cmpi ne, %convert_element_type3A_59, %cond3A_60 : i32
          scf.if %cond3A_61 {
            %dma_wait3A_67 = arith.constant 0 : i32
            %dma_wait3A_68 = tpu.memref_slice %arg8[%scan3A_32, %dma_wait3A_67] : memref<25x100xi32, #tpu.memory_space<vmem>> -> memref<1x100xi32, #tpu.memory_space<vmem>>
            %dma_wait3A_69 = tpu.memref_squeeze %dma_wait3A_68 : memref<1x100xi32, #tpu.memory_space<vmem>> -> memref<100xi32, #tpu.memory_space<vmem>>
            %dma_wait3A_70 = arith.constant 0 : i32
            %dma_wait3A_71 = arith.constant 0 : i32
            %dma_wait3A_72 = tpu.memref_slice %arg12[%dma_wait3A_70, %dma_wait3A_71] : memref<10240x128xf32, #tpu.memory_space<vmem_shared>> -> memref<10240x128xf32, #tpu.memory_space<vmem_shared>>
            tpu.wait_indirect_dma semaphore(%arg16 : memref<!tpu.dma_semaphore, #tpu.memory_space<semaphore_mem>>) src(%arg9 : memref<100x128xf32, #tpu.memory_space<vmem>>) dst(%dma_wait3A_72 : memref<10240x128xf32, #tpu.memory_space<vmem_shared>>)
          } else {
          }
          %add3A = arith.constant 2 : i32
          %add3A_62 = arith.addi %scan3A_32, %add3A : i32
          %lt3A = arith.constant 25 : i32
          %lt3A_63 = arith.cmpi slt, %add3A_62, %lt3A : i32
          %convert_element_type3A_64 = arith.extui %lt3A_63 : i1 to i32
          %cond3A_65 = arith.constant 0 : i32
          %cond3A_66 = arith.cmpi ne, %convert_element_type3A_64, %cond3A_65 : i32
          scf.if %cond3A_66 {
            %add3A_67 = arith.constant 2 : i32
            %add3A_68 = arith.addi %scan3A_32, %add3A_67 : i32
            %dma_start3A_69 = arith.constant 0 : i32
            %dma_start3A_70 = tpu.memref_slice %arg7[%add3A_68, %dma_start3A_69] : memref<25x100xi32, #tpu.memory_space<vmem>> -> memref<1x100xi32, #tpu.memory_space<vmem>>
            %dma_start3A_71 = tpu.memref_squeeze %dma_start3A_70 : memref<1x100xi32, #tpu.memory_space<vmem>> -> memref<100xi32, #tpu.memory_space<vmem>>
            %dma_start3A_72 = arith.constant 0 : i32
            %dma_start3A_73 = arith.constant 0 : i32
            %dma_start3A_74 = tpu.memref_slice %arg2[%dma_start3A_72, %dma_start3A_73] : memref<20480x128xf32, #tpu.memory_space<hbm>> -> memref<20480x128xf32, #tpu.memory_space<hbm>>
            tpu.enqueue_indirect_dma source(%dma_start3A_74 : memref<20480x128xf32, #tpu.memory_space<hbm>>) target(%arg9 : memref<100x128xf32, #tpu.memory_space<vmem>>) offsets(%dma_start3A_71 : memref<100xi32, #tpu.memory_space<vmem>>) semaphore(%arg13 : memref<!tpu.dma_semaphore, #tpu.memory_space<semaphore_mem>>)
          } else {
          }
        } else {
        }
        %eq3A_41 = arith.constant 2 : i32
        %eq3A_42 = arith.cmpi eq, %rem3A_33, %eq3A_41 : i32
        %convert_element_type3A_43 = arith.extui %eq3A_42 : i1 to i32
        %cond3A_44 = arith.constant 0 : i32
        %cond3A_45 = arith.cmpi ne, %convert_element_type3A_43, %cond3A_44 : i32
        scf.if %cond3A_45 {
          %dma_wait3A_46 = arith.constant 0 : i32
          %dma_wait3A_47 = tpu.memref_slice %arg7[%scan3A_32, %dma_wait3A_46] : memref<25x100xi32, #tpu.memory_space<vmem>> -> memref<1x100xi32, #tpu.memory_space<vmem>>
          %dma_wait3A_48 = tpu.memref_squeeze %dma_wait3A_47 : memref<1x100xi32, #tpu.memory_space<vmem>> -> memref<100xi32, #tpu.memory_space<vmem>>
          %dma_wait3A_49 = arith.constant 0 : i32
          %dma_wait3A_50 = arith.constant 0 : i32
          %dma_wait3A_51 = tpu.memref_slice %arg2[%dma_wait3A_49, %dma_wait3A_50] : memref<20480x128xf32, #tpu.memory_space<hbm>> -> memref<20480x128xf32, #tpu.memory_space<hbm>>
          tpu.wait_indirect_dma semaphore(%arg15 : memref<!tpu.dma_semaphore, #tpu.memory_space<semaphore_mem>>) src(%dma_wait3A_51 : memref<20480x128xf32, #tpu.memory_space<hbm>>) dst(%arg11 : memref<100x128xf32, #tpu.memory_space<vmem>>)
          %dma_start3A_52 = arith.constant 0 : i32
          %dma_start3A_53 = tpu.memref_slice %arg8[%scan3A_32, %dma_start3A_52] : memref<25x100xi32, #tpu.memory_space<vmem>> -> memref<1x100xi32, #tpu.memory_space<vmem>>
          %dma_start3A_54 = tpu.memref_squeeze %dma_start3A_53 : memref<1x100xi32, #tpu.memory_space<vmem>> -> memref<100xi32, #tpu.memory_space<vmem>>
          %dma_start3A_55 = arith.constant 0 : i32
          %dma_start3A_56 = arith.constant 0 : i32
          %dma_start3A_57 = tpu.memref_slice %arg12[%dma_start3A_55, %dma_start3A_56] : memref<10240x128xf32, #tpu.memory_space<vmem_shared>> -> memref<10240x128xf32, #tpu.memory_space<vmem_shared>>
          tpu.enqueue_indirect_dma source(%arg11 : memref<100x128xf32, #tpu.memory_space<vmem>>) target(%dma_start3A_57 : memref<10240x128xf32, #tpu.memory_space<vmem_shared>>) offsets(%dma_start3A_54 : memref<100xi32, #tpu.memory_space<vmem>>) semaphore(%arg16 : memref<!tpu.dma_semaphore, #tpu.memory_space<semaphore_mem>>) {add = true}
          %ge3A = arith.constant 1 : i32
          %ge3A_58 = arith.cmpi sge, %scan3A_32, %ge3A : i32
          %convert_element_type3A_59 = arith.extui %ge3A_58 : i1 to i32
          %cond3A_60 = arith.constant 0 : i32
          %cond3A_61 = arith.cmpi ne, %convert_element_type3A_59, %cond3A_60 : i32
          scf.if %cond3A_61 {
            %dma_wait3A_67 = arith.constant 0 : i32
            %dma_wait3A_68 = tpu.memref_slice %arg8[%scan3A_32, %dma_wait3A_67] : memref<25x100xi32, #tpu.memory_space<vmem>> -> memref<1x100xi32, #tpu.memory_space<vmem>>
            %dma_wait3A_69 = tpu.memref_squeeze %dma_wait3A_68 : memref<1x100xi32, #tpu.memory_space<vmem>> -> memref<100xi32, #tpu.memory_space<vmem>>
            %dma_wait3A_70 = arith.constant 0 : i32
            %dma_wait3A_71 = arith.constant 0 : i32
            %dma_wait3A_72 = tpu.memref_slice %arg12[%dma_wait3A_70, %dma_wait3A_71] : memref<10240x128xf32, #tpu.memory_space<vmem_shared>> -> memref<10240x128xf32, #tpu.memory_space<vmem_shared>>
            tpu.wait_indirect_dma semaphore(%arg16 : memref<!tpu.dma_semaphore, #tpu.memory_space<semaphore_mem>>) src(%arg10 : memref<100x128xf32, #tpu.memory_space<vmem>>) dst(%dma_wait3A_72 : memref<10240x128xf32, #tpu.memory_space<vmem_shared>>)
          } else {
          }
          %add3A = arith.constant 2 : i32
          %add3A_62 = arith.addi %scan3A_32, %add3A : i32
          %lt3A = arith.constant 25 : i32
          %lt3A_63 = arith.cmpi slt, %add3A_62, %lt3A : i32
          %convert_element_type3A_64 = arith.extui %lt3A_63 : i1 to i32
          %cond3A_65 = arith.constant 0 : i32
          %cond3A_66 = arith.cmpi ne, %convert_element_type3A_64, %cond3A_65 : i32
          scf.if %cond3A_66 {
            %add3A_67 = arith.constant 2 : i32
            %add3A_68 = arith.addi %scan3A_32, %add3A_67 : i32
            %dma_start3A_69 = arith.constant 0 : i32
            %dma_start3A_70 = tpu.memref_slice %arg7[%add3A_68, %dma_start3A_69] : memref<25x100xi32, #tpu.memory_space<vmem>> -> memref<1x100xi32, #tpu.memory_space<vmem>>
            %dma_start3A_71 = tpu.memref_squeeze %dma_start3A_70 : memref<1x100xi32, #tpu.memory_space<vmem>> -> memref<100xi32, #tpu.memory_space<vmem>>
            %dma_start3A_72 = arith.constant 0 : i32
            %dma_start3A_73 = arith.constant 0 : i32
            %dma_start3A_74 = tpu.memref_slice %arg2[%dma_start3A_72, %dma_start3A_73] : memref<20480x128xf32, #tpu.memory_space<hbm>> -> memref<20480x128xf32, #tpu.memory_space<hbm>>
            tpu.enqueue_indirect_dma source(%dma_start3A_74 : memref<20480x128xf32, #tpu.memory_space<hbm>>) target(%arg10 : memref<100x128xf32, #tpu.memory_space<vmem>>) offsets(%dma_start3A_71 : memref<100xi32, #tpu.memory_space<vmem>>) semaphore(%arg14 : memref<!tpu.dma_semaphore, #tpu.memory_space<semaphore_mem>>)
          } else {
          }
        } else {
        }
      }
      %scan3A_25 = arith.constant 25 : i32
      %dma_wait3A = arith.constant 24 : i32
      %dma_wait3A_26 = arith.constant 0 : i32
      %dma_wait3A_27 = tpu.memref_slice %arg8[%dma_wait3A, %dma_wait3A_26] : memref<25x100xi32, #tpu.memory_space<vmem>> -> memref<1x100xi32, #tpu.memory_space<vmem>>
      %dma_wait3A_28 = tpu.memref_squeeze %dma_wait3A_27 : memref<1x100xi32, #tpu.memory_space<vmem>> -> memref<100xi32, #tpu.memory_space<vmem>>
      %dma_wait3A_29 = arith.constant 0 : i32
      %dma_wait3A_30 = arith.constant 0 : i32
      %dma_wait3A_31 = tpu.memref_slice %arg12[%dma_wait3A_29, %dma_wait3A_30] : memref<10240x128xf32, #tpu.memory_space<vmem_shared>> -> memref<10240x128xf32, #tpu.memory_space<vmem_shared>>
      tpu.wait_indirect_dma semaphore(%arg16 : memref<!tpu.dma_semaphore, #tpu.memory_space<semaphore_mem>>) src(%arg9 : memref<100x128xf32, #tpu.memory_space<vmem>>) dst(%dma_wait3A_31 : memref<10240x128xf32, #tpu.memory_space<vmem_shared>>)
    }
    %scan3A_5 = arith.constant 8 : i32
    %barrier3A_6 = arith.constant 0 : index
    tpu.barrier barrier_id(%barrier3A_6)
    "tpu.region"() ({
      %run_scoped3A = tpu.sem_alloc : memref<!tpu.dma_semaphore, #tpu.memory_space<semaphore_mem>>
      %dma_start3A = arith.constant 0 : i32
      %dma_start3A_7 = arith.constant 0 : i32
      %dma_start3A_8 = arith.constant 0 : i32
      %dma_start3A_9 = tpu.memref_slice %arg6[%arg0, %dma_start3A, %dma_start3A_7, %dma_start3A_8] : memref<2x16x640x128xf32, #tpu.memory_space<hbm>> -> memref<1x16x640x128xf32, #tpu.memory_space<hbm>>
      %dma_start3A_10 = tpu.memref_squeeze %dma_start3A_9 : memref<1x16x640x128xf32, #tpu.memory_space<hbm>> -> memref<16x640x128xf32, #tpu.memory_space<hbm>>
      %dma_start3A_11 = arith.constant 0 : i32
      %dma_start3A_12 = arith.constant 0 : i32
      %dma_start3A_13 = tpu.memref_slice %dma_start3A_10[%arg1, %dma_start3A_11, %dma_start3A_12] : memref<16x640x128xf32, #tpu.memory_space<hbm>> -> memref<1x640x128xf32, #tpu.memory_space<hbm>>
      %dma_start3A_14 = tpu.memref_squeeze %dma_start3A_13 : memref<1x640x128xf32, #tpu.memory_space<hbm>> -> memref<640x128xf32, #tpu.memory_space<hbm>>
      %dma_start3A_15 = arith.constant 0 : i32
      %dma_start3A_16 = tpu.memref_slice %arg12[%mul3A_0, %dma_start3A_15] : memref<10240x128xf32, #tpu.memory_space<vmem_shared>> -> memref<640x128xf32, #tpu.memory_space<vmem_shared>>
      tpu.enqueue_dma source(%dma_start3A_16 : memref<640x128xf32, #tpu.memory_space<vmem_shared>>) target(%dma_start3A_14 : memref<640x128xf32, #tpu.memory_space<hbm>>) target_semaphore(%run_scoped3A : memref<!tpu.dma_semaphore, #tpu.memory_space<semaphore_mem>>)
      %dma_wait3A = arith.constant 0 : i32
      %dma_wait3A_17 = arith.constant 0 : i32
      %dma_wait3A_18 = arith.constant 0 : i32
      %dma_wait3A_19 = tpu.memref_slice %arg6[%arg0, %dma_wait3A, %dma_wait3A_17, %dma_wait3A_18] : memref<2x16x640x128xf32, #tpu.memory_space<hbm>> -> memref<1x16x640x128xf32, #tpu.memory_space<hbm>>
      %dma_wait3A_20 = tpu.memref_squeeze %dma_wait3A_19 : memref<1x16x640x128xf32, #tpu.memory_space<hbm>> -> memref<16x640x128xf32, #tpu.memory_space<hbm>>
      %dma_wait3A_21 = arith.constant 0 : i32
      %dma_wait3A_22 = arith.constant 0 : i32
      %dma_wait3A_23 = tpu.memref_slice %dma_wait3A_20[%arg1, %dma_wait3A_21, %dma_wait3A_22] : memref<16x640x128xf32, #tpu.memory_space<hbm>> -> memref<1x640x128xf32, #tpu.memory_space<hbm>>
      %dma_wait3A_24 = tpu.memref_squeeze %dma_wait3A_23 : memref<1x640x128xf32, #tpu.memory_space<hbm>> -> memref<640x128xf32, #tpu.memory_space<hbm>>
      %dma_wait3A_25 = arith.constant 0 : i32
      %dma_wait3A_26 = tpu.memref_slice %arg12[%mul3A_0, %dma_wait3A_25] : memref<10240x128xf32, #tpu.memory_space<vmem_shared>> -> memref<640x128xf32, #tpu.memory_space<vmem_shared>>
      tpu.wait_dma2 semaphore(%run_scoped3A : memref<!tpu.dma_semaphore, #tpu.memory_space<semaphore_mem>>) src(%dma_wait3A_26 : memref<640x128xf32, #tpu.memory_space<vmem_shared>>) dst(%dma_wait3A_24 : memref<640x128xf32, #tpu.memory_space<hbm>>)
      tpu.yield
    }) : () -> ()
    return
  }
}

#map = affine_map<(d0, d1) -> (0, 0)>
#map1 = affine_map<(d0, d1) -> (0, 0, 0, 0, 0)>
#map2 = affine_map<(d0, d1) -> (0, 0, 0, 0)>
#map3 = affine_map<(d0, d1) -> (0, 0, 0)>
module attributes {stable_mosaic.version = 14 : i64} {
  func.func @_prop_body(%arg0: i32, %arg1: i32, %arg2: memref<20480x128xf32, #tpu.memory_space<hbm>>, %arg3: memref<2x16x8x25x100xi32, #tpu.memory_space<hbm>>, %arg4: memref<16x8x25x100xi32, #tpu.memory_space<hbm>>, %arg5: memref<16x640x128xf32, #tpu.memory_space<hbm>>, %arg6: memref<2x16x640x128xf32, #tpu.memory_space<hbm>>, %arg7: memref<25x100xi32, #tpu.memory_space<vmem>>, %arg8: memref<25x100xi32, #tpu.memory_space<vmem>>, %arg9: memref<100x128xf32, #tpu.memory_space<vmem>>, %arg10: memref<100x128xf32, #tpu.memory_space<vmem>>, %arg11: memref<100x128xf32, #tpu.memory_space<vmem>>, %arg12: memref<10240x128xf32, #tpu.memory_space<vmem_shared>>, %arg13: memref<!tpu.dma_semaphore, #tpu.memory_space<semaphore_mem>>, %arg14: memref<!tpu.dma_semaphore, #tpu.memory_space<semaphore_mem>>, %arg15: memref<!tpu.dma_semaphore, #tpu.memory_space<semaphore_mem>>, %arg16: memref<!tpu.dma_semaphore, #tpu.memory_space<semaphore_mem>>) attributes {dimension_semantics = [#tpu.dimension_semantics<core_parallel>, #tpu.dimension_semantics<subcore_parallel>], iteration_bounds = array<i64: 2, 16>, scalar_prefetch = 0 : i64, scratch_operands = 10 : i64, tpu.core_type = #tpu.core_type<sc_vector_subcore>, window_params = [{transform_indices = #map}, {transform_indices = #map1}, {transform_indices = #map2}, {transform_indices = #map3}, {transform_indices = #map2}]} {
    %mul3A = arith.constant 640 : i32
    %mul3A_0 = arith.muli %arg1, %mul3A : i32
    "tpu.region"() ({
      %run_scoped3A = tpu.sem_alloc : memref<!tpu.dma_semaphore, #tpu.memory_space<semaphore_mem>>
      %dma_start3A = arith.constant 0 : i32
      %dma_start3A_7 = tpu.memref_slice %arg12[%mul3A_0, %dma_start3A] : memref<10240x128xf32, #tpu.memory_space<vmem_shared>> -> memref<640x128xf32, #tpu.memory_space<vmem_shared>>
      %dma_start3A_8 = arith.constant 0 : i32
      %dma_start3A_9 = arith.constant 0 : i32
      %dma_start3A_10 = tpu.memref_slice %arg5[%arg1, %dma_start3A_8, %dma_start3A_9] : memref<16x640x128xf32, #tpu.memory_space<hbm>> -> memref<1x640x128xf32, #tpu.memory_space<hbm>>
      %dma_start3A_11 = tpu.memref_squeeze %dma_start3A_10 : memref<1x640x128xf32, #tpu.memory_space<hbm>> -> memref<640x128xf32, #tpu.memory_space<hbm>>
      tpu.enqueue_dma source(%dma_start3A_11 : memref<640x128xf32, #tpu.memory_space<hbm>>) target(%dma_start3A_7 : memref<640x128xf32, #tpu.memory_space<vmem_shared>>) target_semaphore(%run_scoped3A : memref<!tpu.dma_semaphore, #tpu.memory_space<semaphore_mem>>)
      %dma_wait3A = arith.constant 0 : i32
      %dma_wait3A_12 = tpu.memref_slice %arg12[%mul3A_0, %dma_wait3A] : memref<10240x128xf32, #tpu.memory_space<vmem_shared>> -> memref<640x128xf32, #tpu.memory_space<vmem_shared>>
      %dma_wait3A_13 = arith.constant 0 : i32
      %dma_wait3A_14 = arith.constant 0 : i32
      %dma_wait3A_15 = tpu.memref_slice %arg5[%arg1, %dma_wait3A_13, %dma_wait3A_14] : memref<16x640x128xf32, #tpu.memory_space<hbm>> -> memref<1x640x128xf32, #tpu.memory_space<hbm>>
      %dma_wait3A_16 = tpu.memref_squeeze %dma_wait3A_15 : memref<1x640x128xf32, #tpu.memory_space<hbm>> -> memref<640x128xf32, #tpu.memory_space<hbm>>
      tpu.wait_dma2 semaphore(%run_scoped3A : memref<!tpu.dma_semaphore, #tpu.memory_space<semaphore_mem>>) src(%dma_wait3A_16 : memref<640x128xf32, #tpu.memory_space<hbm>>) dst(%dma_wait3A_12 : memref<640x128xf32, #tpu.memory_space<vmem_shared>>)
      tpu.yield
    }) : () -> ()
    %barrier3A = arith.constant 0 : index
    tpu.barrier barrier_id(%barrier3A)
    %scan3A = arith.constant 0 : i32
    %scan3A_1 = arith.constant 0 : i32
    %scan3A_2 = arith.constant 8 : i32
    %scan3A_3 = arith.addi %scan3A_1, %scan3A_2 : i32
    %scan3A_4 = arith.constant 1 : i32
    scf.for %scan3A_7 = %scan3A_1 to %scan3A_3 step %scan3A_4  : i32 {
      "tpu.region"() ({
        %run_scoped3A = tpu.sem_alloc : memref<!tpu.dma_semaphore, #tpu.memory_space<semaphore_mem>>
        %dma_start3A_32 = arith.constant 0 : i32
        %dma_start3A_33 = arith.constant 0 : i32
        %dma_start3A_34 = arith.constant 0 : i32
        %dma_start3A_35 = arith.constant 0 : i32
        %dma_start3A_36 = tpu.memref_slice %arg3[%arg0, %dma_start3A_32, %dma_start3A_33, %dma_start3A_34, %dma_start3A_35] : memref<2x16x8x25x100xi32, #tpu.memory_space<hbm>> -> memref<1x16x8x25x100xi32, #tpu.memory_space<hbm>>
        %dma_start3A_37 = tpu.memref_squeeze %dma_start3A_36 : memref<1x16x8x25x100xi32, #tpu.memory_space<hbm>> -> memref<16x8x25x100xi32, #tpu.memory_space<hbm>>
        %dma_start3A_38 = arith.constant 0 : i32
        %dma_start3A_39 = arith.constant 0 : i32
        %dma_start3A_40 = arith.constant 0 : i32
        %dma_start3A_41 = tpu.memref_slice %dma_start3A_37[%arg1, %dma_start3A_38, %dma_start3A_39, %dma_start3A_40] : memref<16x8x25x100xi32, #tpu.memory_space<hbm>> -> memref<1x8x25x100xi32, #tpu.memory_space<hbm>>
        %dma_start3A_42 = tpu.memref_squeeze %dma_start3A_41 : memref<1x8x25x100xi32, #tpu.memory_space<hbm>> -> memref<8x25x100xi32, #tpu.memory_space<hbm>>
        %dma_start3A_43 = arith.constant 0 : i32
        %dma_start3A_44 = arith.constant 0 : i32
        %dma_start3A_45 = tpu.memref_slice %dma_start3A_42[%scan3A_7, %dma_start3A_43, %dma_start3A_44] : memref<8x25x100xi32, #tpu.memory_space<hbm>> -> memref<1x25x100xi32, #tpu.memory_space<hbm>>
        %dma_start3A_46 = tpu.memref_squeeze %dma_start3A_45 : memref<1x25x100xi32, #tpu.memory_space<hbm>> -> memref<25x100xi32, #tpu.memory_space<hbm>>
        %dma_start3A_47 = arith.constant 0 : i32
        %dma_start3A_48 = arith.constant 0 : i32
        %dma_start3A_49 = arith.constant 0 : i32
        %dma_start3A_50 = arith.constant 0 : i32
        %dma_start3A_51 = tpu.memref_slice %arg3[%arg0, %dma_start3A_47, %dma_start3A_48, %dma_start3A_49, %dma_start3A_50] : memref<2x16x8x25x100xi32, #tpu.memory_space<hbm>> -> memref<1x16x8x25x100xi32, #tpu.memory_space<hbm>>
        %dma_start3A_52 = tpu.memref_squeeze %dma_start3A_51 : memref<1x16x8x25x100xi32, #tpu.memory_space<hbm>> -> memref<16x8x25x100xi32, #tpu.memory_space<hbm>>
        %dma_start3A_53 = arith.constant 0 : i32
        %dma_start3A_54 = arith.constant 0 : i32
        %dma_start3A_55 = arith.constant 0 : i32
        %dma_start3A_56 = tpu.memref_slice %dma_start3A_52[%arg1, %dma_start3A_53, %dma_start3A_54, %dma_start3A_55] : memref<16x8x25x100xi32, #tpu.memory_space<hbm>> -> memref<1x8x25x100xi32, #tpu.memory_space<hbm>>
        %dma_start3A_57 = tpu.memref_squeeze %dma_start3A_56 : memref<1x8x25x100xi32, #tpu.memory_space<hbm>> -> memref<8x25x100xi32, #tpu.memory_space<hbm>>
        %dma_start3A_58 = arith.constant 0 : i32
        %dma_start3A_59 = arith.constant 0 : i32
        %dma_start3A_60 = tpu.memref_slice %dma_start3A_57[%scan3A_7, %dma_start3A_58, %dma_start3A_59] : memref<8x25x100xi32, #tpu.memory_space<hbm>> -> memref<1x25x100xi32, #tpu.memory_space<hbm>>
        %dma_start3A_61 = tpu.memref_squeeze %dma_start3A_60 : memref<1x25x100xi32, #tpu.memory_space<hbm>> -> memref<25x100xi32, #tpu.memory_space<hbm>>
        tpu.enqueue_dma source(%dma_start3A_61 : memref<25x100xi32, #tpu.memory_space<hbm>>) target(%arg7 : memref<25x100xi32, #tpu.memory_space<vmem>>) target_semaphore(%run_scoped3A : memref<!tpu.dma_semaphore, #tpu.memory_space<semaphore_mem>>)
        %dma_wait3A_62 = arith.constant 0 : i32
        %dma_wait3A_63 = arith.constant 0 : i32
        %dma_wait3A_64 = arith.constant 0 : i32
        %dma_wait3A_65 = arith.constant 0 : i32
        %dma_wait3A_66 = tpu.memref_slice %arg3[%arg0, %dma_wait3A_62, %dma_wait3A_63, %dma_wait3A_64, %dma_wait3A_65] : memref<2x16x8x25x100xi32, #tpu.memory_space<hbm>> -> memref<1x16x8x25x100xi32, #tpu.memory_space<hbm>>
        %dma_wait3A_67 = tpu.memref_squeeze %dma_wait3A_66 : memref<1x16x8x25x100xi32, #tpu.memory_space<hbm>> -> memref<16x8x25x100xi32, #tpu.memory_space<hbm>>
        %dma_wait3A_68 = arith.constant 0 : i32
        %dma_wait3A_69 = arith.constant 0 : i32
        %dma_wait3A_70 = arith.constant 0 : i32
        %dma_wait3A_71 = tpu.memref_slice %dma_wait3A_67[%arg1, %dma_wait3A_68, %dma_wait3A_69, %dma_wait3A_70] : memref<16x8x25x100xi32, #tpu.memory_space<hbm>> -> memref<1x8x25x100xi32, #tpu.memory_space<hbm>>
        %dma_wait3A_72 = tpu.memref_squeeze %dma_wait3A_71 : memref<1x8x25x100xi32, #tpu.memory_space<hbm>> -> memref<8x25x100xi32, #tpu.memory_space<hbm>>
        %dma_wait3A_73 = arith.constant 0 : i32
        %dma_wait3A_74 = arith.constant 0 : i32
        %dma_wait3A_75 = tpu.memref_slice %dma_wait3A_72[%scan3A_7, %dma_wait3A_73, %dma_wait3A_74] : memref<8x25x100xi32, #tpu.memory_space<hbm>> -> memref<1x25x100xi32, #tpu.memory_space<hbm>>
        %dma_wait3A_76 = tpu.memref_squeeze %dma_wait3A_75 : memref<1x25x100xi32, #tpu.memory_space<hbm>> -> memref<25x100xi32, #tpu.memory_space<hbm>>
        %dma_wait3A_77 = arith.constant 0 : i32
        %dma_wait3A_78 = arith.constant 0 : i32
        %dma_wait3A_79 = arith.constant 0 : i32
        %dma_wait3A_80 = arith.constant 0 : i32
        %dma_wait3A_81 = tpu.memref_slice %arg3[%arg0, %dma_wait3A_77, %dma_wait3A_78, %dma_wait3A_79, %dma_wait3A_80] : memref<2x16x8x25x100xi32, #tpu.memory_space<hbm>> -> memref<1x16x8x25x100xi32, #tpu.memory_space<hbm>>
        %dma_wait3A_82 = tpu.memref_squeeze %dma_wait3A_81 : memref<1x16x8x25x100xi32, #tpu.memory_space<hbm>> -> memref<16x8x25x100xi32, #tpu.memory_space<hbm>>
        %dma_wait3A_83 = arith.constant 0 : i32
        %dma_wait3A_84 = arith.constant 0 : i32
        %dma_wait3A_85 = arith.constant 0 : i32
        %dma_wait3A_86 = tpu.memref_slice %dma_wait3A_82[%arg1, %dma_wait3A_83, %dma_wait3A_84, %dma_wait3A_85] : memref<16x8x25x100xi32, #tpu.memory_space<hbm>> -> memref<1x8x25x100xi32, #tpu.memory_space<hbm>>
        %dma_wait3A_87 = tpu.memref_squeeze %dma_wait3A_86 : memref<1x8x25x100xi32, #tpu.memory_space<hbm>> -> memref<8x25x100xi32, #tpu.memory_space<hbm>>
        %dma_wait3A_88 = arith.constant 0 : i32
        %dma_wait3A_89 = arith.constant 0 : i32
        %dma_wait3A_90 = tpu.memref_slice %dma_wait3A_87[%scan3A_7, %dma_wait3A_88, %dma_wait3A_89] : memref<8x25x100xi32, #tpu.memory_space<hbm>> -> memref<1x25x100xi32, #tpu.memory_space<hbm>>
        %dma_wait3A_91 = tpu.memref_squeeze %dma_wait3A_90 : memref<1x25x100xi32, #tpu.memory_space<hbm>> -> memref<25x100xi32, #tpu.memory_space<hbm>>
        tpu.wait_dma2 semaphore(%run_scoped3A : memref<!tpu.dma_semaphore, #tpu.memory_space<semaphore_mem>>) src(%dma_wait3A_91 : memref<25x100xi32, #tpu.memory_space<hbm>>) dst(%arg7 : memref<25x100xi32, #tpu.memory_space<vmem>>)
        tpu.yield
      }) : () -> ()
      "tpu.region"() ({
        %run_scoped3A = tpu.sem_alloc : memref<!tpu.dma_semaphore, #tpu.memory_space<semaphore_mem>>
        %dma_start3A_32 = arith.constant 0 : i32
        %dma_start3A_33 = arith.constant 0 : i32
        %dma_start3A_34 = arith.constant 0 : i32
        %dma_start3A_35 = tpu.memref_slice %arg4[%arg1, %dma_start3A_32, %dma_start3A_33, %dma_start3A_34] : memref<16x8x25x100xi32, #tpu.memory_space<hbm>> -> memref<1x8x25x100xi32, #tpu.memory_space<hbm>>
        %dma_start3A_36 = tpu.memref_squeeze %dma_start3A_35 : memref<1x8x25x100xi32, #tpu.memory_space<hbm>> -> memref<8x25x100xi32, #tpu.memory_space<hbm>>
        %dma_start3A_37 = arith.constant 0 : i32
        %dma_start3A_38 = arith.constant 0 : i32
        %dma_start3A_39 = tpu.memref_slice %dma_start3A_36[%scan3A_7, %dma_start3A_37, %dma_start3A_38] : memref<8x25x100xi32, #tpu.memory_space<hbm>> -> memref<1x25x100xi32, #tpu.memory_space<hbm>>
        %dma_start3A_40 = tpu.memref_squeeze %dma_start3A_39 : memref<1x25x100xi32, #tpu.memory_space<hbm>> -> memref<25x100xi32, #tpu.memory_space<hbm>>
        %dma_start3A_41 = arith.constant 0 : i32
        %dma_start3A_42 = arith.constant 0 : i32
        %dma_start3A_43 = arith.constant 0 : i32
        %dma_start3A_44 = tpu.memref_slice %arg4[%arg1, %dma_start3A_41, %dma_start3A_42, %dma_start3A_43] : memref<16x8x25x100xi32, #tpu.memory_space<hbm>> -> memref<1x8x25x100xi32, #tpu.memory_space<hbm>>
        %dma_start3A_45 = tpu.memref_squeeze %dma_start3A_44 : memref<1x8x25x100xi32, #tpu.memory_space<hbm>> -> memref<8x25x100xi32, #tpu.memory_space<hbm>>
        %dma_start3A_46 = arith.constant 0 : i32
        %dma_start3A_47 = arith.constant 0 : i32
        %dma_start3A_48 = tpu.memref_slice %dma_start3A_45[%scan3A_7, %dma_start3A_46, %dma_start3A_47] : memref<8x25x100xi32, #tpu.memory_space<hbm>> -> memref<1x25x100xi32, #tpu.memory_space<hbm>>
        %dma_start3A_49 = tpu.memref_squeeze %dma_start3A_48 : memref<1x25x100xi32, #tpu.memory_space<hbm>> -> memref<25x100xi32, #tpu.memory_space<hbm>>
        tpu.enqueue_dma source(%dma_start3A_49 : memref<25x100xi32, #tpu.memory_space<hbm>>) target(%arg8 : memref<25x100xi32, #tpu.memory_space<vmem>>) target_semaphore(%run_scoped3A : memref<!tpu.dma_semaphore, #tpu.memory_space<semaphore_mem>>)
        %dma_wait3A_50 = arith.constant 0 : i32
        %dma_wait3A_51 = arith.constant 0 : i32
        %dma_wait3A_52 = arith.constant 0 : i32
        %dma_wait3A_53 = tpu.memref_slice %arg4[%arg1, %dma_wait3A_50, %dma_wait3A_51, %dma_wait3A_52] : memref<16x8x25x100xi32, #tpu.memory_space<hbm>> -> memref<1x8x25x100xi32, #tpu.memory_space<hbm>>
        %dma_wait3A_54 = tpu.memref_squeeze %dma_wait3A_53 : memref<1x8x25x100xi32, #tpu.memory_space<hbm>> -> memref<8x25x100xi32, #tpu.memory_space<hbm>>
        %dma_wait3A_55 = arith.constant 0 : i32
        %dma_wait3A_56 = arith.constant 0 : i32
        %dma_wait3A_57 = tpu.memref_slice %dma_wait3A_54[%scan3A_7, %dma_wait3A_55, %dma_wait3A_56] : memref<8x25x100xi32, #tpu.memory_space<hbm>> -> memref<1x25x100xi32, #tpu.memory_space<hbm>>
        %dma_wait3A_58 = tpu.memref_squeeze %dma_wait3A_57 : memref<1x25x100xi32, #tpu.memory_space<hbm>> -> memref<25x100xi32, #tpu.memory_space<hbm>>
        %dma_wait3A_59 = arith.constant 0 : i32
        %dma_wait3A_60 = arith.constant 0 : i32
        %dma_wait3A_61 = arith.constant 0 : i32
        %dma_wait3A_62 = tpu.memref_slice %arg4[%arg1, %dma_wait3A_59, %dma_wait3A_60, %dma_wait3A_61] : memref<16x8x25x100xi32, #tpu.memory_space<hbm>> -> memref<1x8x25x100xi32, #tpu.memory_space<hbm>>
        %dma_wait3A_63 = tpu.memref_squeeze %dma_wait3A_62 : memref<1x8x25x100xi32, #tpu.memory_space<hbm>> -> memref<8x25x100xi32, #tpu.memory_space<hbm>>
        %dma_wait3A_64 = arith.constant 0 : i32
        %dma_wait3A_65 = arith.constant 0 : i32
        %dma_wait3A_66 = tpu.memref_slice %dma_wait3A_63[%scan3A_7, %dma_wait3A_64, %dma_wait3A_65] : memref<8x25x100xi32, #tpu.memory_space<hbm>> -> memref<1x25x100xi32, #tpu.memory_space<hbm>>
        %dma_wait3A_67 = tpu.memref_squeeze %dma_wait3A_66 : memref<1x25x100xi32, #tpu.memory_space<hbm>> -> memref<25x100xi32, #tpu.memory_space<hbm>>
        tpu.wait_dma2 semaphore(%run_scoped3A : memref<!tpu.dma_semaphore, #tpu.memory_space<semaphore_mem>>) src(%dma_wait3A_67 : memref<25x100xi32, #tpu.memory_space<hbm>>) dst(%arg8 : memref<25x100xi32, #tpu.memory_space<vmem>>)
        tpu.yield
      }) : () -> ()
      %dma_start3A = arith.constant 0 : i32
      %dma_start3A_8 = arith.constant 0 : i32
      %dma_start3A_9 = tpu.memref_slice %arg7[%dma_start3A, %dma_start3A_8] : memref<25x100xi32, #tpu.memory_space<vmem>> -> memref<1x100xi32, #tpu.memory_space<vmem>>
      %dma_start3A_10 = tpu.memref_squeeze %dma_start3A_9 : memref<1x100xi32, #tpu.memory_space<vmem>> -> memref<100xi32, #tpu.memory_space<vmem>>
      %dma_start3A_11 = arith.constant 0 : i32
      %dma_start3A_12 = arith.constant 0 : i32
      %dma_start3A_13 = tpu.memref_slice %arg2[%dma_start3A_11, %dma_start3A_12] : memref<20480x128xf32, #tpu.memory_space<hbm>> -> memref<20480x128xf32, #tpu.memory_space<hbm>>
      tpu.enqueue_indirect_dma source(%dma_start3A_13 : memref<20480x128xf32, #tpu.memory_space<hbm>>) target(%arg9 : memref<100x128xf32, #tpu.memory_space<vmem>>) offsets(%dma_start3A_10 : memref<100xi32, #tpu.memory_space<vmem>>) semaphore(%arg13 : memref<!tpu.dma_semaphore, #tpu.memory_space<semaphore_mem>>)
      %dma_start3A_14 = arith.constant 1 : i32
      %dma_start3A_15 = arith.constant 0 : i32
      %dma_start3A_16 = tpu.memref_slice %arg7[%dma_start3A_14, %dma_start3A_15] : memref<25x100xi32, #tpu.memory_space<vmem>> -> memref<1x100xi32, #tpu.memory_space<vmem>>
      %dma_start3A_17 = tpu.memref_squeeze %dma_start3A_16 : memref<1x100xi32, #tpu.memory_space<vmem>> -> memref<100xi32, #tpu.memory_space<vmem>>
      %dma_start3A_18 = arith.constant 0 : i32
      %dma_start3A_19 = arith.constant 0 : i32
      %dma_start3A_20 = tpu.memref_slice %arg2[%dma_start3A_18, %dma_start3A_19] : memref<20480x128xf32, #tpu.memory_space<hbm>> -> memref<20480x128xf32, #tpu.memory_space<hbm>>
      tpu.enqueue_indirect_dma source(%dma_start3A_20 : memref<20480x128xf32, #tpu.memory_space<hbm>>) target(%arg10 : memref<100x128xf32, #tpu.memory_space<vmem>>) offsets(%dma_start3A_17 : memref<100xi32, #tpu.memory_space<vmem>>) semaphore(%arg14 : memref<!tpu.dma_semaphore, #tpu.memory_space<semaphore_mem>>)
      %scan3A_21 = arith.constant 0 : i32
      %scan3A_22 = arith.constant 25 : i32
      %scan3A_23 = arith.addi %scan3A_21, %scan3A_22 : i32
      %scan3A_24 = arith.constant 1 : i32
      scf.for %scan3A_32 = %scan3A_21 to %scan3A_23 step %scan3A_24  : i32 {
        %rem3A = arith.constant 3 : i32
        %rem3A_33 = arith.remsi %scan3A_32, %rem3A : i32
        %eq3A = arith.constant 0 : i32
        %eq3A_34 = arith.cmpi eq, %rem3A_33, %eq3A : i32
        %convert_element_type3A = arith.extui %eq3A_34 : i1 to i32
        %cond3A = arith.constant 0 : i32
        %cond3A_35 = arith.cmpi ne, %convert_element_type3A, %cond3A : i32
        scf.if %cond3A_35 {
          %dma_wait3A_46 = arith.constant 0 : i32
          %dma_wait3A_47 = tpu.memref_slice %arg7[%scan3A_32, %dma_wait3A_46] : memref<25x100xi32, #tpu.memory_space<vmem>> -> memref<1x100xi32, #tpu.memory_space<vmem>>
          %dma_wait3A_48 = tpu.memref_squeeze %dma_wait3A_47 : memref<1x100xi32, #tpu.memory_space<vmem>> -> memref<100xi32, #tpu.memory_space<vmem>>
          %dma_wait3A_49 = arith.constant 0 : i32
          %dma_wait3A_50 = arith.constant 0 : i32
          %dma_wait3A_51 = tpu.memref_slice %arg2[%dma_wait3A_49, %dma_wait3A_50] : memref<20480x128xf32, #tpu.memory_space<hbm>> -> memref<20480x128xf32, #tpu.memory_space<hbm>>
          tpu.wait_indirect_dma semaphore(%arg13 : memref<!tpu.dma_semaphore, #tpu.memory_space<semaphore_mem>>) src(%dma_wait3A_51 : memref<20480x128xf32, #tpu.memory_space<hbm>>) dst(%arg9 : memref<100x128xf32, #tpu.memory_space<vmem>>)
          %dma_start3A_52 = arith.constant 0 : i32
          %dma_start3A_53 = tpu.memref_slice %arg8[%scan3A_32, %dma_start3A_52] : memref<25x100xi32, #tpu.memory_space<vmem>> -> memref<1x100xi32, #tpu.memory_space<vmem>>
          %dma_start3A_54 = tpu.memref_squeeze %dma_start3A_53 : memref<1x100xi32, #tpu.memory_space<vmem>> -> memref<100xi32, #tpu.memory_space<vmem>>
          %dma_start3A_55 = arith.constant 0 : i32
          %dma_start3A_56 = arith.constant 0 : i32
          %dma_start3A_57 = tpu.memref_slice %arg12[%dma_start3A_55, %dma_start3A_56] : memref<10240x128xf32, #tpu.memory_space<vmem_shared>> -> memref<10240x128xf32, #tpu.memory_space<vmem_shared>>
          tpu.enqueue_indirect_dma source(%arg9 : memref<100x128xf32, #tpu.memory_space<vmem>>) target(%dma_start3A_57 : memref<10240x128xf32, #tpu.memory_space<vmem_shared>>) offsets(%dma_start3A_54 : memref<100xi32, #tpu.memory_space<vmem>>) semaphore(%arg16 : memref<!tpu.dma_semaphore, #tpu.memory_space<semaphore_mem>>) {add = true}
          %ge3A = arith.constant 1 : i32
          %ge3A_58 = arith.cmpi sge, %scan3A_32, %ge3A : i32
          %convert_element_type3A_59 = arith.extui %ge3A_58 : i1 to i32
          %cond3A_60 = arith.constant 0 : i32
          %cond3A_61 = arith.cmpi ne, %convert_element_type3A_59, %cond3A_60 : i32
          scf.if %cond3A_61 {
            %dma_wait3A_67 = arith.constant 0 : i32
            %dma_wait3A_68 = tpu.memref_slice %arg8[%scan3A_32, %dma_wait3A_67] : memref<25x100xi32, #tpu.memory_space<vmem>> -> memref<1x100xi32, #tpu.memory_space<vmem>>
            %dma_wait3A_69 = tpu.memref_squeeze %dma_wait3A_68 : memref<1x100xi32, #tpu.memory_space<vmem>> -> memref<100xi32, #tpu.memory_space<vmem>>
            %dma_wait3A_70 = arith.constant 0 : i32
            %dma_wait3A_71 = arith.constant 0 : i32
            %dma_wait3A_72 = tpu.memref_slice %arg12[%dma_wait3A_70, %dma_wait3A_71] : memref<10240x128xf32, #tpu.memory_space<vmem_shared>> -> memref<10240x128xf32, #tpu.memory_space<vmem_shared>>
            tpu.wait_indirect_dma semaphore(%arg16 : memref<!tpu.dma_semaphore, #tpu.memory_space<semaphore_mem>>) src(%arg11 : memref<100x128xf32, #tpu.memory_space<vmem>>) dst(%dma_wait3A_72 : memref<10240x128xf32, #tpu.memory_space<vmem_shared>>)
          } else {
          }
          %add3A = arith.constant 2 : i32
          %add3A_62 = arith.addi %scan3A_32, %add3A : i32
          %lt3A = arith.constant 25 : i32
          %lt3A_63 = arith.cmpi slt, %add3A_62, %lt3A : i32
          %convert_element_type3A_64 = arith.extui %lt3A_63 : i1 to i32
          %cond3A_65 = arith.constant 0 : i32
          %cond3A_66 = arith.cmpi ne, %convert_element_type3A_64, %cond3A_65 : i32
          scf.if %cond3A_66 {
            %add3A_67 = arith.constant 2 : i32
            %add3A_68 = arith.addi %scan3A_32, %add3A_67 : i32
            %dma_start3A_69 = arith.constant 0 : i32
            %dma_start3A_70 = tpu.memref_slice %arg7[%add3A_68, %dma_start3A_69] : memref<25x100xi32, #tpu.memory_space<vmem>> -> memref<1x100xi32, #tpu.memory_space<vmem>>
            %dma_start3A_71 = tpu.memref_squeeze %dma_start3A_70 : memref<1x100xi32, #tpu.memory_space<vmem>> -> memref<100xi32, #tpu.memory_space<vmem>>
            %dma_start3A_72 = arith.constant 0 : i32
            %dma_start3A_73 = arith.constant 0 : i32
            %dma_start3A_74 = tpu.memref_slice %arg2[%dma_start3A_72, %dma_start3A_73] : memref<20480x128xf32, #tpu.memory_space<hbm>> -> memref<20480x128xf32, #tpu.memory_space<hbm>>
            tpu.enqueue_indirect_dma source(%dma_start3A_74 : memref<20480x128xf32, #tpu.memory_space<hbm>>) target(%arg11 : memref<100x128xf32, #tpu.memory_space<vmem>>) offsets(%dma_start3A_71 : memref<100xi32, #tpu.memory_space<vmem>>) semaphore(%arg15 : memref<!tpu.dma_semaphore, #tpu.memory_space<semaphore_mem>>)
          } else {
          }
        } else {
        }
        %eq3A_36 = arith.constant 1 : i32
        %eq3A_37 = arith.cmpi eq, %rem3A_33, %eq3A_36 : i32
        %convert_element_type3A_38 = arith.extui %eq3A_37 : i1 to i32
        %cond3A_39 = arith.constant 0 : i32
        %cond3A_40 = arith.cmpi ne, %convert_element_type3A_38, %cond3A_39 : i32
        scf.if %cond3A_40 {
          %dma_wait3A_46 = arith.constant 0 : i32
          %dma_wait3A_47 = tpu.memref_slice %arg7[%scan3A_32, %dma_wait3A_46] : memref<25x100xi32, #tpu.memory_space<vmem>> -> memref<1x100xi32, #tpu.memory_space<vmem>>
          %dma_wait3A_48 = tpu.memref_squeeze %dma_wait3A_47 : memref<1x100xi32, #tpu.memory_space<vmem>> -> memref<100xi32, #tpu.memory_space<vmem>>
          %dma_wait3A_49 = arith.constant 0 : i32
          %dma_wait3A_50 = arith.constant 0 : i32
          %dma_wait3A_51 = tpu.memref_slice %arg2[%dma_wait3A_49, %dma_wait3A_50] : memref<20480x128xf32, #tpu.memory_space<hbm>> -> memref<20480x128xf32, #tpu.memory_space<hbm>>
          tpu.wait_indirect_dma semaphore(%arg14 : memref<!tpu.dma_semaphore, #tpu.memory_space<semaphore_mem>>) src(%dma_wait3A_51 : memref<20480x128xf32, #tpu.memory_space<hbm>>) dst(%arg10 : memref<100x128xf32, #tpu.memory_space<vmem>>)
          %dma_start3A_52 = arith.constant 0 : i32
          %dma_start3A_53 = tpu.memref_slice %arg8[%scan3A_32, %dma_start3A_52] : memref<25x100xi32, #tpu.memory_space<vmem>> -> memref<1x100xi32, #tpu.memory_space<vmem>>
          %dma_start3A_54 = tpu.memref_squeeze %dma_start3A_53 : memref<1x100xi32, #tpu.memory_space<vmem>> -> memref<100xi32, #tpu.memory_space<vmem>>
          %dma_start3A_55 = arith.constant 0 : i32
          %dma_start3A_56 = arith.constant 0 : i32
          %dma_start3A_57 = tpu.memref_slice %arg12[%dma_start3A_55, %dma_start3A_56] : memref<10240x128xf32, #tpu.memory_space<vmem_shared>> -> memref<10240x128xf32, #tpu.memory_space<vmem_shared>>
          tpu.enqueue_indirect_dma source(%arg10 : memref<100x128xf32, #tpu.memory_space<vmem>>) target(%dma_start3A_57 : memref<10240x128xf32, #tpu.memory_space<vmem_shared>>) offsets(%dma_start3A_54 : memref<100xi32, #tpu.memory_space<vmem>>) semaphore(%arg16 : memref<!tpu.dma_semaphore, #tpu.memory_space<semaphore_mem>>) {add = true}
          %ge3A = arith.constant 1 : i32
          %ge3A_58 = arith.cmpi sge, %scan3A_32, %ge3A : i32
          %convert_element_type3A_59 = arith.extui %ge3A_58 : i1 to i32
          %cond3A_60 = arith.constant 0 : i32
          %cond3A_61 = arith.cmpi ne, %convert_element_type3A_59, %cond3A_60 : i32
          scf.if %cond3A_61 {
            %dma_wait3A_67 = arith.constant 0 : i32
            %dma_wait3A_68 = tpu.memref_slice %arg8[%scan3A_32, %dma_wait3A_67] : memref<25x100xi32, #tpu.memory_space<vmem>> -> memref<1x100xi32, #tpu.memory_space<vmem>>
            %dma_wait3A_69 = tpu.memref_squeeze %dma_wait3A_68 : memref<1x100xi32, #tpu.memory_space<vmem>> -> memref<100xi32, #tpu.memory_space<vmem>>
            %dma_wait3A_70 = arith.constant 0 : i32
            %dma_wait3A_71 = arith.constant 0 : i32
            %dma_wait3A_72 = tpu.memref_slice %arg12[%dma_wait3A_70, %dma_wait3A_71] : memref<10240x128xf32, #tpu.memory_space<vmem_shared>> -> memref<10240x128xf32, #tpu.memory_space<vmem_shared>>
            tpu.wait_indirect_dma semaphore(%arg16 : memref<!tpu.dma_semaphore, #tpu.memory_space<semaphore_mem>>) src(%arg9 : memref<100x128xf32, #tpu.memory_space<vmem>>) dst(%dma_wait3A_72 : memref<10240x128xf32, #tpu.memory_space<vmem_shared>>)
          } else {
          }
          %add3A = arith.constant 2 : i32
          %add3A_62 = arith.addi %scan3A_32, %add3A : i32
          %lt3A = arith.constant 25 : i32
          %lt3A_63 = arith.cmpi slt, %add3A_62, %lt3A : i32
          %convert_element_type3A_64 = arith.extui %lt3A_63 : i1 to i32
          %cond3A_65 = arith.constant 0 : i32
          %cond3A_66 = arith.cmpi ne, %convert_element_type3A_64, %cond3A_65 : i32
          scf.if %cond3A_66 {
            %add3A_67 = arith.constant 2 : i32
            %add3A_68 = arith.addi %scan3A_32, %add3A_67 : i32
            %dma_start3A_69 = arith.constant 0 : i32
            %dma_start3A_70 = tpu.memref_slice %arg7[%add3A_68, %dma_start3A_69] : memref<25x100xi32, #tpu.memory_space<vmem>> -> memref<1x100xi32, #tpu.memory_space<vmem>>
            %dma_start3A_71 = tpu.memref_squeeze %dma_start3A_70 : memref<1x100xi32, #tpu.memory_space<vmem>> -> memref<100xi32, #tpu.memory_space<vmem>>
            %dma_start3A_72 = arith.constant 0 : i32
            %dma_start3A_73 = arith.constant 0 : i32
            %dma_start3A_74 = tpu.memref_slice %arg2[%dma_start3A_72, %dma_start3A_73] : memref<20480x128xf32, #tpu.memory_space<hbm>> -> memref<20480x128xf32, #tpu.memory_space<hbm>>
            tpu.enqueue_indirect_dma source(%dma_start3A_74 : memref<20480x128xf32, #tpu.memory_space<hbm>>) target(%arg9 : memref<100x128xf32, #tpu.memory_space<vmem>>) offsets(%dma_start3A_71 : memref<100xi32, #tpu.memory_space<vmem>>) semaphore(%arg13 : memref<!tpu.dma_semaphore, #tpu.memory_space<semaphore_mem>>)
          } else {
          }
        } else {
        }
        %eq3A_41 = arith.constant 2 : i32
        %eq3A_42 = arith.cmpi eq, %rem3A_33, %eq3A_41 : i32
        %convert_element_type3A_43 = arith.extui %eq3A_42 : i1 to i32
        %cond3A_44 = arith.constant 0 : i32
        %cond3A_45 = arith.cmpi ne, %convert_element_type3A_43, %cond3A_44 : i32
        scf.if %cond3A_45 {
          %dma_wait3A_46 = arith.constant 0 : i32
          %dma_wait3A_47 = tpu.memref_slice %arg7[%scan3A_32, %dma_wait3A_46] : memref<25x100xi32, #tpu.memory_space<vmem>> -> memref<1x100xi32, #tpu.memory_space<vmem>>
          %dma_wait3A_48 = tpu.memref_squeeze %dma_wait3A_47 : memref<1x100xi32, #tpu.memory_space<vmem>> -> memref<100xi32, #tpu.memory_space<vmem>>
          %dma_wait3A_49 = arith.constant 0 : i32
          %dma_wait3A_50 = arith.constant 0 : i32
          %dma_wait3A_51 = tpu.memref_slice %arg2[%dma_wait3A_49, %dma_wait3A_50] : memref<20480x128xf32, #tpu.memory_space<hbm>> -> memref<20480x128xf32, #tpu.memory_space<hbm>>
          tpu.wait_indirect_dma semaphore(%arg15 : memref<!tpu.dma_semaphore, #tpu.memory_space<semaphore_mem>>) src(%dma_wait3A_51 : memref<20480x128xf32, #tpu.memory_space<hbm>>) dst(%arg11 : memref<100x128xf32, #tpu.memory_space<vmem>>)
          %dma_start3A_52 = arith.constant 0 : i32
          %dma_start3A_53 = tpu.memref_slice %arg8[%scan3A_32, %dma_start3A_52] : memref<25x100xi32, #tpu.memory_space<vmem>> -> memref<1x100xi32, #tpu.memory_space<vmem>>
          %dma_start3A_54 = tpu.memref_squeeze %dma_start3A_53 : memref<1x100xi32, #tpu.memory_space<vmem>> -> memref<100xi32, #tpu.memory_space<vmem>>
          %dma_start3A_55 = arith.constant 0 : i32
          %dma_start3A_56 = arith.constant 0 : i32
          %dma_start3A_57 = tpu.memref_slice %arg12[%dma_start3A_55, %dma_start3A_56] : memref<10240x128xf32, #tpu.memory_space<vmem_shared>> -> memref<10240x128xf32, #tpu.memory_space<vmem_shared>>
          tpu.enqueue_indirect_dma source(%arg11 : memref<100x128xf32, #tpu.memory_space<vmem>>) target(%dma_start3A_57 : memref<10240x128xf32, #tpu.memory_space<vmem_shared>>) offsets(%dma_start3A_54 : memref<100xi32, #tpu.memory_space<vmem>>) semaphore(%arg16 : memref<!tpu.dma_semaphore, #tpu.memory_space<semaphore_mem>>) {add = true}
          %ge3A = arith.constant 1 : i32
          %ge3A_58 = arith.cmpi sge, %scan3A_32, %ge3A : i32
          %convert_element_type3A_59 = arith.extui %ge3A_58 : i1 to i32
          %cond3A_60 = arith.constant 0 : i32
          %cond3A_61 = arith.cmpi ne, %convert_element_type3A_59, %cond3A_60 : i32
          scf.if %cond3A_61 {
            %dma_wait3A_67 = arith.constant 0 : i32
            %dma_wait3A_68 = tpu.memref_slice %arg8[%scan3A_32, %dma_wait3A_67] : memref<25x100xi32, #tpu.memory_space<vmem>> -> memref<1x100xi32, #tpu.memory_space<vmem>>
            %dma_wait3A_69 = tpu.memref_squeeze %dma_wait3A_68 : memref<1x100xi32, #tpu.memory_space<vmem>> -> memref<100xi32, #tpu.memory_space<vmem>>
            %dma_wait3A_70 = arith.constant 0 : i32
            %dma_wait3A_71 = arith.constant 0 : i32
            %dma_wait3A_72 = tpu.memref_slice %arg12[%dma_wait3A_70, %dma_wait3A_71] : memref<10240x128xf32, #tpu.memory_space<vmem_shared>> -> memref<10240x128xf32, #tpu.memory_space<vmem_shared>>
            tpu.wait_indirect_dma semaphore(%arg16 : memref<!tpu.dma_semaphore, #tpu.memory_space<semaphore_mem>>) src(%arg10 : memref<100x128xf32, #tpu.memory_space<vmem>>) dst(%dma_wait3A_72 : memref<10240x128xf32, #tpu.memory_space<vmem_shared>>)
          } else {
          }
          %add3A = arith.constant 2 : i32
          %add3A_62 = arith.addi %scan3A_32, %add3A : i32
          %lt3A = arith.constant 25 : i32
          %lt3A_63 = arith.cmpi slt, %add3A_62, %lt3A : i32
          %convert_element_type3A_64 = arith.extui %lt3A_63 : i1 to i32
          %cond3A_65 = arith.constant 0 : i32
          %cond3A_66 = arith.cmpi ne, %convert_element_type3A_64, %cond3A_65 : i32
          scf.if %cond3A_66 {
            %add3A_67 = arith.constant 2 : i32
            %add3A_68 = arith.addi %scan3A_32, %add3A_67 : i32
            %dma_start3A_69 = arith.constant 0 : i32
            %dma_start3A_70 = tpu.memref_slice %arg7[%add3A_68, %dma_start3A_69] : memref<25x100xi32, #tpu.memory_space<vmem>> -> memref<1x100xi32, #tpu.memory_space<vmem>>
            %dma_start3A_71 = tpu.memref_squeeze %dma_start3A_70 : memref<1x100xi32, #tpu.memory_space<vmem>> -> memref<100xi32, #tpu.memory_space<vmem>>
            %dma_start3A_72 = arith.constant 0 : i32
            %dma_start3A_73 = arith.constant 0 : i32
            %dma_start3A_74 = tpu.memref_slice %arg2[%dma_start3A_72, %dma_start3A_73] : memref<20480x128xf32, #tpu.memory_space<hbm>> -> memref<20480x128xf32, #tpu.memory_space<hbm>>
            tpu.enqueue_indirect_dma source(%dma_start3A_74 : memref<20480x128xf32, #tpu.memory_space<hbm>>) target(%arg10 : memref<100x128xf32, #tpu.memory_space<vmem>>) offsets(%dma_start3A_71 : memref<100xi32, #tpu.memory_space<vmem>>) semaphore(%arg14 : memref<!tpu.dma_semaphore, #tpu.memory_space<semaphore_mem>>)
          } else {
          }
        } else {
        }
      }
      %scan3A_25 = arith.constant 25 : i32
      %dma_wait3A = arith.constant 24 : i32
      %dma_wait3A_26 = arith.constant 0 : i32
      %dma_wait3A_27 = tpu.memref_slice %arg8[%dma_wait3A, %dma_wait3A_26] : memref<25x100xi32, #tpu.memory_space<vmem>> -> memref<1x100xi32, #tpu.memory_space<vmem>>
      %dma_wait3A_28 = tpu.memref_squeeze %dma_wait3A_27 : memref<1x100xi32, #tpu.memory_space<vmem>> -> memref<100xi32, #tpu.memory_space<vmem>>
      %dma_wait3A_29 = arith.constant 0 : i32
      %dma_wait3A_30 = arith.constant 0 : i32
      %dma_wait3A_31 = tpu.memref_slice %arg12[%dma_wait3A_29, %dma_wait3A_30] : memref<10240x128xf32, #tpu.memory_space<vmem_shared>> -> memref<10240x128xf32, #tpu.memory_space<vmem_shared>>
      tpu.wait_indirect_dma semaphore(%arg16 : memref<!tpu.dma_semaphore, #tpu.memory_space<semaphore_mem>>) src(%arg9 : memref<100x128xf32, #tpu.memory_space<vmem>>) dst(%dma_wait3A_31 : memref<10240x128xf32, #tpu.memory_space<vmem_shared>>)
    }
    %scan3A_5 = arith.constant 8 : i32
    %barrier3A_6 = arith.constant 0 : index
    tpu.barrier barrier_id(%barrier3A_6)
    "tpu.region"() ({
      %run_scoped3A = tpu.sem_alloc : memref<!tpu.dma_semaphore, #tpu.memory_space<semaphore_mem>>
      %dma_start3A = arith.constant 0 : i32
      %dma_start3A_7 = arith.constant 0 : i32
      %dma_start3A_8 = arith.constant 0 : i32
      %dma_start3A_9 = tpu.memref_slice %arg6[%arg0, %dma_start3A, %dma_start3A_7, %dma_start3A_8] : memref<2x16x640x128xf32, #tpu.memory_space<hbm>> -> memref<1x16x640x128xf32, #tpu.memory_space<hbm>>
      %dma_start3A_10 = tpu.memref_squeeze %dma_start3A_9 : memref<1x16x640x128xf32, #tpu.memory_space<hbm>> -> memref<16x640x128xf32, #tpu.memory_space<hbm>>
      %dma_start3A_11 = arith.constant 0 : i32
      %dma_start3A_12 = arith.constant 0 : i32
      %dma_start3A_13 = tpu.memref_slice %dma_start3A_10[%arg1, %dma_start3A_11, %dma_start3A_12] : memref<16x640x128xf32, #tpu.memory_space<hbm>> -> memref<1x640x128xf32, #tpu.memory_space<hbm>>
      %dma_start3A_14 = tpu.memref_squeeze %dma_start3A_13 : memref<1x640x128xf32, #tpu.memory_space<hbm>> -> memref<640x128xf32, #tpu.memory_space<hbm>>
      %dma_start3A_15 = arith.constant 0 : i32
      %dma_start3A_16 = tpu.memref_slice %arg12[%mul3A_0, %dma_start3A_15] : memref<10240x128xf32, #tpu.memory_space<vmem_shared>> -> memref<640x128xf32, #tpu.memory_space<vmem_shared>>
      tpu.enqueue_dma source(%dma_start3A_16 : memref<640x128xf32, #tpu.memory_space<vmem_shared>>) target(%dma_start3A_14 : memref<640x128xf32, #tpu.memory_space<hbm>>) target_semaphore(%run_scoped3A : memref<!tpu.dma_semaphore, #tpu.memory_space<semaphore_mem>>)
      %dma_wait3A = arith.constant 0 : i32
      %dma_wait3A_17 = arith.constant 0 : i32
      %dma_wait3A_18 = arith.constant 0 : i32
      %dma_wait3A_19 = tpu.memref_slice %arg6[%arg0, %dma_wait3A, %dma_wait3A_17, %dma_wait3A_18] : memref<2x16x640x128xf32, #tpu.memory_space<hbm>> -> memref<1x16x640x128xf32, #tpu.memory_space<hbm>>
      %dma_wait3A_20 = tpu.memref_squeeze %dma_wait3A_19 : memref<1x16x640x128xf32, #tpu.memory_space<hbm>> -> memref<16x640x128xf32, #tpu.memory_space<hbm>>
      %dma_wait3A_21 = arith.constant 0 : i32
      %dma_wait3A_22 = arith.constant 0 : i32
      %dma_wait3A_23 = tpu.memref_slice %dma_wait3A_20[%arg1, %dma_wait3A_21, %dma_wait3A_22] : memref<16x640x128xf32, #tpu.memory_space<hbm>> -> memref<1x640x128xf32, #tpu.memory_space<hbm>>
      %dma_wait3A_24 = tpu.memref_squeeze %dma_wait3A_23 : memref<1x640x128xf32, #tpu.memory_space<hbm>> -> memref<640x128xf32, #tpu.memory_space<hbm>>
      %dma_wait3A_25 = arith.constant 0 : i32
      %dma_wait3A_26 = tpu.memref_slice %arg12[%mul3A_0, %dma_wait3A_25] : memref<10240x128xf32, #tpu.memory_space<vmem_shared>> -> memref<640x128xf32, #tpu.memory_space<vmem_shared>>
      tpu.wait_dma2 semaphore(%run_scoped3A : memref<!tpu.dma_semaphore, #tpu.memory_space<semaphore_mem>>) src(%dma_wait3A_26 : memref<640x128xf32, #tpu.memory_space<vmem_shared>>) dst(%dma_wait3A_24 : memref<640x128xf32, #tpu.memory_space<hbm>>)
      tpu.yield
    }) : () -> ()
    return
  }
}

module attributes {stable_mosaic.version = 14 : i64} {
  func.func @_tc1_body(%arg0: i32, %arg1: memref<1x1024x128xf32, #tpu.memory_space<vmem>>, %arg2: memref<1x1024x128xf32, #tpu.memory_space<vmem>>, %arg3: memref<1024x128xf32, #tpu.memory_space<vmem>>, %arg4: memref<1024x1xf32, #tpu.memory_space<vmem>>, %arg5: memref<2x1024x128xf32, #tpu.memory_space<vmem>>) attributes {dimension_semantics = [#tpu.dimension_semantics<arbitrary>], iteration_bounds = array<i64: 10>, scalar_prefetch = 0 : i64, scratch_operands = 0 : i64, tpu.core_type = #tpu.core_type<tc>, window_params = [{transform_indices = @transform_0, window_bounds = array<i64: 1, 1024, 128>}, {transform_indices = @transform_1, window_bounds = array<i64: 1, 1024, 128>}, {transform_indices = @transform_2, window_bounds = array<i64: 1024, 128>}, {transform_indices = @transform_3, window_bounds = array<i64: 1024, 1>}, {transform_indices = @transform_4, window_bounds = array<i64: 2, 1024, 128>}]} {
    %get3A = arith.constant 0 : index
    %get3A_0 = arith.constant 0 : index
    %get3A_1 = arith.constant 0 : index
    %get3A_2 = vector.load %arg1[%get3A, %get3A_0, %get3A_1] : memref<1x1024x128xf32, #tpu.memory_space<vmem>>, vector<1x1024x1xf32>
    %get3A_3 = vector.shape_cast %get3A_2 : vector<1x1024x1xf32> to vector<1024x1xf32>
    %get3A_4 = arith.constant 0 : index
    %get3A_5 = arith.constant 0 : index
    %get3A_6 = arith.constant 0 : index
    %get3A_7 = vector.load %arg2[%get3A_4, %get3A_5, %get3A_6] : memref<1x1024x128xf32, #tpu.memory_space<vmem>>, vector<1x1024x1xf32>
    %get3A_8 = vector.shape_cast %get3A_7 : vector<1x1024x1xf32> to vector<1024x1xf32>
    %add3A = arith.addf %get3A_3, %get3A_8 : vector<1024x1xf32>
    %add3A_9 = arith.constant 1.000000e+00 : f32
    %add3A_10 = vector.broadcast %add3A_9 : f32 to vector<1024x1xf32>
    %add3A_11 = arith.addf %add3A, %add3A_10 : vector<1024x1xf32>
    %rsqrt3A = math.rsqrt %add3A_11 : vector<1024x1xf32>
    %swap3A = arith.constant 0 : index
    %swap3A_12 = arith.constant 0 : index
    %swap3A_13 = vector.load %arg4[%swap3A, %swap3A_12] : memref<1024x1xf32, #tpu.memory_space<vmem>>, vector<1024x1xf32>
    tpu.vector_store %arg4[%swap3A, %swap3A_12], %rsqrt3A {strides = array<i32>} : memref<1024x1xf32, #tpu.memory_space<vmem>>, vector<1024x1xf32>,
    %get3A_14 = arith.constant 0 : index
    %get3A_15 = arith.constant 0 : index
    %get3A_16 = vector.load %arg3[%get3A_14, %get3A_15] : memref<1024x128xf32, #tpu.memory_space<vmem>>, vector<1024x128xf32>
    %swap3A_17 = arith.constant 0 : index
    %swap3A_18 = arith.constant 0 : index
    %swap3A_19 = arith.constant 0 : index
    %swap3A_20 = vector.load %arg5[%swap3A_17, %swap3A_18, %swap3A_19] : memref<2x1024x128xf32, #tpu.memory_space<vmem>>, vector<1x1024x128xf32>
    %swap3A_21 = vector.shape_cast %swap3A_20 : vector<1x1024x128xf32> to vector<1024x128xf32>
    %swap3A_22 = vector.shape_cast %get3A_16 : vector<1024x128xf32> to vector<1x1024x128xf32>
    tpu.vector_store %arg5[%swap3A_17, %swap3A_18, %swap3A_19], %swap3A_22 {strides = array<i32>} : memref<2x1024x128xf32, #tpu.memory_space<vmem>>, vector<1x1024x128xf32>,
    %get3A_23 = arith.constant 0 : index
    %get3A_24 = arith.constant 0 : index
    %get3A_25 = vector.load %arg3[%get3A_23, %get3A_24] : memref<1024x128xf32, #tpu.memory_space<vmem>>, vector<1024x128xf32>
    %mul3A = vector.broadcast %rsqrt3A : vector<1024x1xf32> to vector<1024x128xf32>
    %mul3A_26 = arith.mulf %get3A_25, %mul3A : vector<1024x128xf32>
    %swap3A_27 = arith.constant 1 : index
    %swap3A_28 = arith.constant 0 : index
    %swap3A_29 = arith.constant 0 : index
    %swap3A_30 = vector.load %arg5[%swap3A_27, %swap3A_28, %swap3A_29] : memref<2x1024x128xf32, #tpu.memory_space<vmem>>, vector<1x1024x128xf32>
    %swap3A_31 = vector.shape_cast %swap3A_30 : vector<1x1024x128xf32> to vector<1024x128xf32>
    %swap3A_32 = vector.shape_cast %mul3A_26 : vector<1024x128xf32> to vector<1x1024x128xf32>
    tpu.vector_store %arg5[%swap3A_27, %swap3A_28, %swap3A_29], %swap3A_32 {strides = array<i32>} : memref<2x1024x128xf32, #tpu.memory_space<vmem>>, vector<1x1024x128xf32>,
    return
  }
  func.func @transform_0(%arg0: i32) -> (i32, i32, i32) {
    %c0_i32 = arith.constant 0 : i32
    %c0_i32_0 = arith.constant 0 : i32
    %c0_i32_1 = arith.constant 0 : i32
    return %c0_i32, %arg0, %c0_i32_0 : i32, i32, i32
  }
  func.func @transform_1(%arg0: i32) -> (i32, i32, i32) {
    %c1_i32 = arith.constant 1 : i32
    %c0_i32 = arith.constant 0 : i32
    %c0_i32_0 = arith.constant 0 : i32
    return %c1_i32, %arg0, %c0_i32 : i32, i32, i32
  }
  func.func @transform_2(%arg0: i32) -> (i32, i32) {
    %c0_i32 = arith.constant 0 : i32
    %c0_i32_0 = arith.constant 0 : i32
    return %arg0, %c0_i32 : i32, i32
  }
  func.func @transform_3(%arg0: i32) -> (i32, i32) {
    %c0_i32 = arith.constant 0 : i32
    %c0_i32_0 = arith.constant 0 : i32
    return %arg0, %c0_i32 : i32, i32
  }
  func.func @transform_4(%arg0: i32) -> (i32, i32, i32) {
    %c0_i32 = arith.constant 0 : i32
    %c0_i32_0 = arith.constant 0 : i32
    %c0_i32_1 = arith.constant 0 : i32
    return %c0_i32, %arg0, %c0_i32_0 : i32, i32, i32
  }
}

module attributes {stable_mosaic.version = 14 : i64} {
  func.func @_tc2_body(%arg0: i32, %arg1: memref<1024x128xf32, #tpu.memory_space<vmem>>, %arg2: memref<1x1024x128xf32, #tpu.memory_space<vmem>>, %arg3: memref<1x1024x128xf32, #tpu.memory_space<vmem>>, %arg4: memref<1024x1xf32, #tpu.memory_space<vmem>>, %arg5: memref<128x128xf32, #tpu.memory_space<vmem>>, %arg6: memref<1x128xf32, #tpu.memory_space<vmem>>, %arg7: memref<128x128xf32, #tpu.memory_space<vmem>>, %arg8: memref<1x128xf32, #tpu.memory_space<vmem>>, %arg9: memref<2x1024x128xf32, #tpu.memory_space<vmem>>) attributes {dimension_semantics = [#tpu.dimension_semantics<arbitrary>], iteration_bounds = array<i64: 10>, scalar_prefetch = 0 : i64, scratch_operands = 0 : i64, tpu.core_type = #tpu.core_type<tc>, window_params = [{transform_indices = @transform_0, window_bounds = array<i64: 1024, 128>}, {transform_indices = @transform_1, window_bounds = array<i64: 1, 1024, 128>}, {transform_indices = @transform_2, window_bounds = array<i64: 1, 1024, 128>}, {transform_indices = @transform_3, window_bounds = array<i64: 1024, 1>}, {pipeline_mode = #tpu.pipeline_mode<synchronous>, transform_indices = @transform_4, window_bounds = array<i64: 128, 128>}, {pipeline_mode = #tpu.pipeline_mode<synchronous>, transform_indices = @transform_5, window_bounds = array<i64: 1, 128>}, {pipeline_mode = #tpu.pipeline_mode<synchronous>, transform_indices = @transform_6, window_bounds = array<i64: 128, 128>}, {pipeline_mode = #tpu.pipeline_mode<synchronous>, transform_indices = @transform_7, window_bounds = array<i64: 1, 128>}, {transform_indices = @transform_8, window_bounds = array<i64: 2, 1024, 128>}]} {
    %get3A = arith.constant 0 : index
    %get3A_0 = arith.constant 0 : index
    %get3A_1 = vector.load %arg4[%get3A, %get3A_0] : memref<1024x1xf32, #tpu.memory_space<vmem>>, vector<1024x1xf32>
    %get3A_2 = arith.constant 0 : index
    %get3A_3 = arith.constant 0 : index
    %get3A_4 = vector.load %arg1[%get3A_2, %get3A_3] : memref<1024x128xf32, #tpu.memory_space<vmem>>, vector<1024x128xf32>
    %get3A_5 = arith.constant 0 : index
    %get3A_6 = arith.constant 0 : index
    %get3A_7 = arith.constant 0 : index
    %get3A_8 = vector.load %arg2[%get3A_5, %get3A_6, %get3A_7] : memref<1x1024x128xf32, #tpu.memory_space<vmem>>, vector<1x1024x128xf32>
    %get3A_9 = vector.shape_cast %get3A_8 : vector<1x1024x128xf32> to vector<1024x128xf32>
    %add3A = arith.addf %get3A_4, %get3A_9 : vector<1024x128xf32>
    %get3A_10 = arith.constant 0 : index
    %get3A_11 = arith.constant 0 : index
    %get3A_12 = vector.load %arg5[%get3A_10, %get3A_11] : memref<128x128xf32, #tpu.memory_space<vmem>>, vector<128x128xf32>
    %dot_general3A = arith.constant dense<0.000000e+00> : vector<1024x128xf32>
    %dot_general3A_13 = tpu.matmul %add3A, %get3A_12, %dot_general3A {dimension_numbers = #tpu.dot_dimension_numbers<[1], [0], [0], [1], [0, 0, 1, 1], [], []>, transpose_lhs_hint = false} : vector<1024x128xf32>, vector<128x128xf32>, vector<1024x128xf32> -> vector<1024x128xf32>
    %get3A_14 = arith.constant 0 : index
    %get3A_15 = arith.constant 0 : index
    %get3A_16 = vector.load %arg6[%get3A_14, %get3A_15] : memref<1x128xf32, #tpu.memory_space<vmem>>, vector<1x128xf32>
    %add3A_17 = vector.broadcast %get3A_16 : vector<1x128xf32> to vector<1024x128xf32>
    %add3A_18 = arith.addf %dot_general3A_13, %add3A_17 : vector<1024x128xf32>
    %get3A_19 = arith.constant 0 : index
    %get3A_20 = arith.constant 0 : index
    %get3A_21 = arith.constant 0 : index
    %get3A_22 = vector.load %arg3[%get3A_19, %get3A_20, %get3A_21] : memref<1x1024x128xf32, #tpu.memory_space<vmem>>, vector<1x1024x128xf32>
    %get3A_23 = vector.shape_cast %get3A_22 : vector<1x1024x128xf32> to vector<1024x128xf32>
    %mul3A = vector.broadcast %get3A_1 : vector<1024x1xf32> to vector<1024x128xf32>
    %mul3A_24 = arith.mulf %mul3A, %get3A_23 : vector<1024x128xf32>
    %mul3A_25 = arith.mulf %get3A_1, %get3A_1 : vector<1024x1xf32>
    %get3A_26 = arith.constant 0 : index
    %get3A_27 = arith.constant 0 : index
    %get3A_28 = vector.load %arg1[%get3A_26, %get3A_27] : memref<1024x128xf32, #tpu.memory_space<vmem>>, vector<1024x128xf32>
    %mul3A_29 = vector.broadcast %mul3A_25 : vector<1024x1xf32> to vector<1024x128xf32>
    %mul3A_30 = arith.mulf %mul3A_29, %get3A_28 : vector<1024x128xf32>
    %add3A_31 = arith.addf %mul3A_24, %mul3A_30 : vector<1024x128xf32>
    %get3A_32 = arith.constant 0 : index
    %get3A_33 = arith.constant 0 : index
    %get3A_34 = vector.load %arg7[%get3A_32, %get3A_33] : memref<128x128xf32, #tpu.memory_space<vmem>>, vector<128x128xf32>
    %dot_general3A_35 = arith.constant dense<0.000000e+00> : vector<1024x128xf32>
    %dot_general3A_36 = tpu.matmul %add3A_31, %get3A_34, %dot_general3A_35 {dimension_numbers = #tpu.dot_dimension_numbers<[1], [0], [0], [1], [0, 0, 1, 1], [], []>, transpose_lhs_hint = false} : vector<1024x128xf32>, vector<128x128xf32>, vector<1024x128xf32> -> vector<1024x128xf32>
    %get3A_37 = arith.constant 0 : index
    %get3A_38 = arith.constant 0 : index
    %get3A_39 = vector.load %arg8[%get3A_37, %get3A_38] : memref<1x128xf32, #tpu.memory_space<vmem>>, vector<1x128xf32>
    %add3A_40 = vector.broadcast %get3A_39 : vector<1x128xf32> to vector<1024x128xf32>
    %add3A_41 = arith.addf %dot_general3A_36, %add3A_40 : vector<1024x128xf32>
    %max3A = arith.constant 0.000000e+00 : f32
    %max3A_42 = vector.broadcast %max3A : f32 to vector<1024x128xf32>
    %max3A_43 = arith.maximumf %add3A_41, %max3A_42 : vector<1024x128xf32>
    %swap3A = arith.constant 0 : index
    %swap3A_44 = arith.constant 0 : index
    %swap3A_45 = arith.constant 0 : index
    %swap3A_46 = vector.load %arg9[%swap3A, %swap3A_44, %swap3A_45] : memref<2x1024x128xf32, #tpu.memory_space<vmem>>, vector<1x1024x128xf32>
    %swap3A_47 = vector.shape_cast %swap3A_46 : vector<1x1024x128xf32> to vector<1024x128xf32>
    %swap3A_48 = vector.shape_cast %add3A_18 : vector<1024x128xf32> to vector<1x1024x128xf32>
    tpu.vector_store %arg9[%swap3A, %swap3A_44, %swap3A_45], %swap3A_48 {strides = array<i32>} : memref<2x1024x128xf32, #tpu.memory_space<vmem>>, vector<1x1024x128xf32>,
    %mul3A_49 = vector.broadcast %get3A_1 : vector<1024x1xf32> to vector<1024x128xf32>
    %mul3A_50 = arith.mulf %mul3A_49, %max3A_43 : vector<1024x128xf32>
    %swap3A_51 = arith.constant 1 : index
    %swap3A_52 = arith.constant 0 : index
    %swap3A_53 = arith.constant 0 : index
    %swap3A_54 = vector.load %arg9[%swap3A_51, %swap3A_52, %swap3A_53] : memref<2x1024x128xf32, #tpu.memory_space<vmem>>, vector<1x1024x128xf32>
    %swap3A_55 = vector.shape_cast %swap3A_54 : vector<1x1024x128xf32> to vector<1024x128xf32>
    %swap3A_56 = vector.shape_cast %mul3A_50 : vector<1024x128xf32> to vector<1x1024x128xf32>
    tpu.vector_store %arg9[%swap3A_51, %swap3A_52, %swap3A_53], %swap3A_56 {strides = array<i32>} : memref<2x1024x128xf32, #tpu.memory_space<vmem>>, vector<1x1024x128xf32>,
    return
  }
  func.func @transform_0(%arg0: i32) -> (i32, i32) {
    %c0_i32 = arith.constant 0 : i32
    %c0_i32_0 = arith.constant 0 : i32
    return %arg0, %c0_i32 : i32, i32
  }
  func.func @transform_1(%arg0: i32) -> (i32, i32, i32) {
    %c0_i32 = arith.constant 0 : i32
    %c0_i32_0 = arith.constant 0 : i32
    %c0_i32_1 = arith.constant 0 : i32
    return %c0_i32, %arg0, %c0_i32_0 : i32, i32, i32
  }
  func.func @transform_2(%arg0: i32) -> (i32, i32, i32) {
    %c1_i32 = arith.constant 1 : i32
    %c0_i32 = arith.constant 0 : i32
    %c0_i32_0 = arith.constant 0 : i32
    return %c1_i32, %arg0, %c0_i32 : i32, i32, i32
  }
  func.func @transform_3(%arg0: i32) -> (i32, i32) {
    %c0_i32 = arith.constant 0 : i32
    %c0_i32_0 = arith.constant 0 : i32
    return %arg0, %c0_i32 : i32, i32
  }
  func.func @transform_4(%arg0: i32) -> (i32, i32) {
    %c0_i32 = arith.constant 0 : i32
    %c0_i32_0 = arith.constant 0 : i32
    %c0_i32_1 = arith.constant 0 : i32
    return %c0_i32, %c0_i32_0 : i32, i32
  }
  func.func @transform_5(%arg0: i32) -> (i32, i32) {
    %c0_i32 = arith.constant 0 : i32
    %c0_i32_0 = arith.constant 0 : i32
    %c0_i32_1 = arith.constant 0 : i32
    return %c0_i32, %c0_i32_0 : i32, i32
  }
  func.func @transform_6(%arg0: i32) -> (i32, i32) {
    %c0_i32 = arith.constant 0 : i32
    %c0_i32_0 = arith.constant 0 : i32
    %c0_i32_1 = arith.constant 0 : i32
    return %c0_i32, %c0_i32_0 : i32, i32
  }
  func.func @transform_7(%arg0: i32) -> (i32, i32) {
    %c0_i32 = arith.constant 0 : i32
    %c0_i32_0 = arith.constant 0 : i32
    %c0_i32_1 = arith.constant 0 : i32
    return %c0_i32, %c0_i32_0 : i32, i32
  }
  func.func @transform_8(%arg0: i32) -> (i32, i32, i32) {
    %c0_i32 = arith.constant 0 : i32
    %c0_i32_0 = arith.constant 0 : i32
    %c0_i32_1 = arith.constant 0 : i32
    return %c0_i32, %arg0, %c0_i32_0 : i32, i32, i32
  }
}

module attributes {stable_mosaic.version = 14 : i64} {
  func.func @_tc3_body(%arg0: i32, %arg1: memref<1x1024x128xf32, #tpu.memory_space<vmem>>, %arg2: memref<1x1024x128xf32, #tpu.memory_space<vmem>>, %arg3: memref<1x1024x128xf32, #tpu.memory_space<vmem>>, %arg4: memref<1x1024x128xf32, #tpu.memory_space<vmem>>, %arg5: memref<1024x1xf32, #tpu.memory_space<vmem>>, %arg6: memref<128x128xf32, #tpu.memory_space<vmem>>, %arg7: memref<128x128xf32, #tpu.memory_space<vmem>>, %arg8: memref<128x128xf32, #tpu.memory_space<vmem>>, %arg9: memref<128x128xf32, #tpu.memory_space<vmem>>, %arg10: memref<1x128xf32, #tpu.memory_space<vmem>>, %arg11: memref<1x128xf32, #tpu.memory_space<vmem>>, %arg12: memref<1x128xf32, #tpu.memory_space<vmem>>, %arg13: memref<1x128xf32, #tpu.memory_space<vmem>>, %arg14: memref<1024x128xf32, #tpu.memory_space<vmem>>) attributes {dimension_semantics = [#tpu.dimension_semantics<arbitrary>], iteration_bounds = array<i64: 10>, scalar_prefetch = 0 : i64, scratch_operands = 0 : i64, tpu.core_type = #tpu.core_type<tc>, window_params = [{transform_indices = @transform_0, window_bounds = array<i64: 1, 1024, 128>}, {transform_indices = @transform_1, window_bounds = array<i64: 1, 1024, 128>}, {transform_indices = @transform_2, window_bounds = array<i64: 1, 1024, 128>}, {transform_indices = @transform_3, window_bounds = array<i64: 1, 1024, 128>}, {transform_indices = @transform_4, window_bounds = array<i64: 1024, 1>}, {pipeline_mode = #tpu.pipeline_mode<synchronous>, transform_indices = @transform_5, window_bounds = array<i64: 128, 128>}, {pipeline_mode = #tpu.pipeline_mode<synchronous>, transform_indices = @transform_6, window_bounds = array<i64: 128, 128>}, {pipeline_mode = #tpu.pipeline_mode<synchronous>, transform_indices = @transform_7, window_bounds = array<i64: 128, 128>}, {pipeline_mode = #tpu.pipeline_mode<synchronous>, transform_indices = @transform_8, window_bounds = array<i64: 128, 128>}, {pipeline_mode = #tpu.pipeline_mode<synchronous>, transform_indices = @transform_9, window_bounds = array<i64: 1, 128>}, {pipeline_mode = #tpu.pipeline_mode<synchronous>, transform_indices = @transform_10, window_bounds = array<i64: 1, 128>}, {pipeline_mode = #tpu.pipeline_mode<synchronous>, transform_indices = @transform_11, window_bounds = array<i64: 1, 128>}, {pipeline_mode = #tpu.pipeline_mode<synchronous>, transform_indices = @transform_12, window_bounds = array<i64: 1, 128>}, {transform_indices = @transform_13, window_bounds = array<i64: 1024, 128>}]} {
    %get3A = arith.constant 0 : index
    %get3A_0 = arith.constant 0 : index
    %get3A_1 = vector.load %arg8[%get3A, %get3A_0] : memref<128x128xf32, #tpu.memory_space<vmem>>, vector<128x128xf32>
    %get3A_2 = arith.constant 0 : index
    %get3A_3 = arith.constant 0 : index
    %get3A_4 = vector.load %arg9[%get3A_2, %get3A_3] : memref<128x128xf32, #tpu.memory_space<vmem>>, vector<128x128xf32>
    %dot_general3A = arith.constant dense<0.000000e+00> : vector<128x128xf32>
    %dot_general3A_5 = tpu.matmul %get3A_1, %get3A_4, %dot_general3A {dimension_numbers = #tpu.dot_dimension_numbers<[1], [0], [0], [1], [0, 0, 1, 1], [], []>, transpose_lhs_hint = false} : vector<128x128xf32>, vector<128x128xf32>, vector<128x128xf32> -> vector<128x128xf32>
    %get3A_6 = arith.constant 0 : index
    %get3A_7 = arith.constant 0 : index
    %get3A_8 = vector.load %arg6[%get3A_6, %get3A_7] : memref<128x128xf32, #tpu.memory_space<vmem>>, vector<128x128xf32>
    %dot_general3A_9 = arith.constant dense<0.000000e+00> : vector<128x128xf32>
    %dot_general3A_10 = tpu.matmul %get3A_8, %dot_general3A_5, %dot_general3A_9 {dimension_numbers = #tpu.dot_dimension_numbers<[1], [0], [0], [1], [0, 0, 1, 1], [], []>, transpose_lhs_hint = false} : vector<128x128xf32>, vector<128x128xf32>, vector<128x128xf32> -> vector<128x128xf32>
    %get3A_11 = arith.constant 0 : index
    %get3A_12 = arith.constant 0 : index
    %get3A_13 = vector.load %arg7[%get3A_11, %get3A_12] : memref<128x128xf32, #tpu.memory_space<vmem>>, vector<128x128xf32>
    %dot_general3A_14 = arith.constant dense<0.000000e+00> : vector<128x128xf32>
    %dot_general3A_15 = tpu.matmul %get3A_13, %dot_general3A_5, %dot_general3A_14 {dimension_numbers = #tpu.dot_dimension_numbers<[1], [0], [0], [1], [0, 0, 1, 1], [], []>, transpose_lhs_hint = false} : vector<128x128xf32>, vector<128x128xf32>, vector<128x128xf32> -> vector<128x128xf32>
    %get3A_16 = arith.constant 0 : index
    %get3A_17 = arith.constant 0 : index
    %get3A_18 = vector.load %arg10[%get3A_16, %get3A_17] : memref<1x128xf32, #tpu.memory_space<vmem>>, vector<1x128xf32>
    %get3A_19 = arith.constant 0 : index
    %get3A_20 = arith.constant 0 : index
    %get3A_21 = vector.load %arg11[%get3A_19, %get3A_20] : memref<1x128xf32, #tpu.memory_space<vmem>>, vector<1x128xf32>
    %add3A = arith.addf %get3A_18, %get3A_21 : vector<1x128xf32>
    %dot_general3A_22 = arith.constant dense<0.000000e+00> : vector<1x128xf32>
    %dot_general3A_23 = tpu.matmul %add3A, %dot_general3A_5, %dot_general3A_22 {dimension_numbers = #tpu.dot_dimension_numbers<[1], [0], [0], [1], [0, 0, 1, 1], [], []>, transpose_lhs_hint = false} : vector<1x128xf32>, vector<128x128xf32>, vector<1x128xf32> -> vector<1x128xf32>
    %get3A_24 = arith.constant 0 : index
    %get3A_25 = arith.constant 0 : index
    %get3A_26 = vector.load %arg12[%get3A_24, %get3A_25] : memref<1x128xf32, #tpu.memory_space<vmem>>, vector<1x128xf32>
    %get3A_27 = arith.constant 0 : index
    %get3A_28 = arith.constant 0 : index
    %get3A_29 = vector.load %arg9[%get3A_27, %get3A_28] : memref<128x128xf32, #tpu.memory_space<vmem>>, vector<128x128xf32>
    %dot_general3A_30 = arith.constant dense<0.000000e+00> : vector<1x128xf32>
    %dot_general3A_31 = tpu.matmul %get3A_26, %get3A_29, %dot_general3A_30 {dimension_numbers = #tpu.dot_dimension_numbers<[1], [0], [0], [1], [0, 0, 1, 1], [], []>, transpose_lhs_hint = false} : vector<1x128xf32>, vector<128x128xf32>, vector<1x128xf32> -> vector<1x128xf32>
    %mul3A = arith.constant 2.000000e+00 : f32
    %mul3A_32 = vector.broadcast %mul3A : f32 to vector<1x128xf32>
    %mul3A_33 = arith.mulf %mul3A_32, %dot_general3A_31 : vector<1x128xf32>
    %add3A_34 = arith.addf %dot_general3A_23, %mul3A_33 : vector<1x128xf32>
    %get3A_35 = arith.constant 0 : index
    %get3A_36 = arith.constant 0 : index
    %get3A_37 = vector.load %arg13[%get3A_35, %get3A_36] : memref<1x128xf32, #tpu.memory_space<vmem>>, vector<1x128xf32>
    %add3A_38 = arith.addf %add3A_34, %get3A_37 : vector<1x128xf32>
    %get3A_39 = arith.constant 0 : index
    %get3A_40 = arith.constant 0 : index
    %get3A_41 = vector.load %arg5[%get3A_39, %get3A_40] : memref<1024x1xf32, #tpu.memory_space<vmem>>, vector<1024x1xf32>
    %get3A_42 = arith.constant 0 : index
    %get3A_43 = arith.constant 0 : index
    %get3A_44 = arith.constant 0 : index
    %get3A_45 = vector.load %arg1[%get3A_42, %get3A_43, %get3A_44] : memref<1x1024x128xf32, #tpu.memory_space<vmem>>, vector<1x1024x128xf32>
    %get3A_46 = vector.shape_cast %get3A_45 : vector<1x1024x128xf32> to vector<1024x128xf32>
    %get3A_47 = arith.constant 0 : index
    %get3A_48 = arith.constant 0 : index
    %get3A_49 = arith.constant 0 : index
    %get3A_50 = vector.load %arg3[%get3A_47, %get3A_48, %get3A_49] : memref<1x1024x128xf32, #tpu.memory_space<vmem>>, vector<1x1024x128xf32>
    %get3A_51 = vector.shape_cast %get3A_50 : vector<1x1024x128xf32> to vector<1024x128xf32>
    %add3A_52 = arith.addf %get3A_46, %get3A_51 : vector<1024x128xf32>
    %get3A_53 = arith.constant 0 : index
    %get3A_54 = arith.constant 0 : index
    %get3A_55 = arith.constant 0 : index
    %get3A_56 = vector.load %arg4[%get3A_53, %get3A_54, %get3A_55] : memref<1x1024x128xf32, #tpu.memory_space<vmem>>, vector<1x1024x128xf32>
    %get3A_57 = vector.shape_cast %get3A_56 : vector<1x1024x128xf32> to vector<1024x128xf32>
    %get3A_58 = arith.constant 0 : index
    %get3A_59 = arith.constant 0 : index
    %get3A_60 = arith.constant 0 : index
    %get3A_61 = vector.load %arg2[%get3A_58, %get3A_59, %get3A_60] : memref<1x1024x128xf32, #tpu.memory_space<vmem>>, vector<1x1024x128xf32>
    %get3A_62 = vector.shape_cast %get3A_61 : vector<1x1024x128xf32> to vector<1024x128xf32>
    %add3A_63 = arith.addf %get3A_57, %get3A_62 : vector<1024x128xf32>
    %mul3A_64 = vector.broadcast %get3A_41 : vector<1024x1xf32> to vector<1024x128xf32>
    %mul3A_65 = arith.mulf %mul3A_64, %add3A_63 : vector<1024x128xf32>
    %dot_general3A_66 = arith.constant dense<0.000000e+00> : vector<1024x128xf32>
    %dot_general3A_67 = tpu.matmul %add3A_52, %dot_general3A_10, %dot_general3A_66 {dimension_numbers = #tpu.dot_dimension_numbers<[1], [0], [0], [1], [0, 0, 1, 1], [], []>, transpose_lhs_hint = false} : vector<1024x128xf32>, vector<128x128xf32>, vector<1024x128xf32> -> vector<1024x128xf32>
    %dot_general3A_68 = arith.constant dense<0.000000e+00> : vector<1024x128xf32>
    %dot_general3A_69 = tpu.matmul %mul3A_65, %dot_general3A_15, %dot_general3A_68 {dimension_numbers = #tpu.dot_dimension_numbers<[1], [0], [0], [1], [0, 0, 1, 1], [], []>, transpose_lhs_hint = false} : vector<1024x128xf32>, vector<128x128xf32>, vector<1024x128xf32> -> vector<1024x128xf32>
    %add3A_70 = arith.addf %dot_general3A_67, %dot_general3A_69 : vector<1024x128xf32>
    %add3A_71 = vector.broadcast %add3A_38 : vector<1x128xf32> to vector<1024x128xf32>
    %add3A_72 = arith.addf %add3A_70, %add3A_71 : vector<1024x128xf32>
    %swap3A = arith.constant 0 : index
    %swap3A_73 = arith.constant 0 : index
    %swap3A_74 = vector.load %arg14[%swap3A, %swap3A_73] : memref<1024x128xf32, #tpu.memory_space<vmem>>, vector<1024x128xf32>
    tpu.vector_store %arg14[%swap3A, %swap3A_73], %add3A_72 {strides = array<i32>} : memref<1024x128xf32, #tpu.memory_space<vmem>>, vector<1024x128xf32>,
    return
  }
  func.func @transform_0(%arg0: i32) -> (i32, i32, i32) {
    %c0_i32 = arith.constant 0 : i32
    %c0_i32_0 = arith.constant 0 : i32
    %c0_i32_1 = arith.constant 0 : i32
    return %c0_i32, %arg0, %c0_i32_0 : i32, i32, i32
  }
  func.func @transform_1(%arg0: i32) -> (i32, i32, i32) {
    %c1_i32 = arith.constant 1 : i32
    %c0_i32 = arith.constant 0 : i32
    %c0_i32_0 = arith.constant 0 : i32
    return %c1_i32, %arg0, %c0_i32 : i32, i32, i32
  }
  func.func @transform_2(%arg0: i32) -> (i32, i32, i32) {
    %c0_i32 = arith.constant 0 : i32
    %c0_i32_0 = arith.constant 0 : i32
    %c0_i32_1 = arith.constant 0 : i32
    return %c0_i32, %arg0, %c0_i32_0 : i32, i32, i32
  }
  func.func @transform_3(%arg0: i32) -> (i32, i32, i32) {
    %c1_i32 = arith.constant 1 : i32
    %c0_i32 = arith.constant 0 : i32
    %c0_i32_0 = arith.constant 0 : i32
    return %c1_i32, %arg0, %c0_i32 : i32, i32, i32
  }
  func.func @transform_4(%arg0: i32) -> (i32, i32) {
    %c0_i32 = arith.constant 0 : i32
    %c0_i32_0 = arith.constant 0 : i32
    return %arg0, %c0_i32 : i32, i32
  }
  func.func @transform_5(%arg0: i32) -> (i32, i32) {
    %c0_i32 = arith.constant 0 : i32
    %c0_i32_0 = arith.constant 0 : i32
    %c0_i32_1 = arith.constant 0 : i32
    return %c0_i32, %c0_i32_0 : i32, i32
  }
  func.func @transform_6(%arg0: i32) -> (i32, i32) {
    %c0_i32 = arith.constant 0 : i32
    %c0_i32_0 = arith.constant 0 : i32
    %c0_i32_1 = arith.constant 0 : i32
    return %c0_i32, %c0_i32_0 : i32, i32
  }
  func.func @transform_7(%arg0: i32) -> (i32, i32) {
    %c0_i32 = arith.constant 0 : i32
    %c0_i32_0 = arith.constant 0 : i32
    %c0_i32_1 = arith.constant 0 : i32
    return %c0_i32, %c0_i32_0 : i32, i32
  }
  func.func @transform_8(%arg0: i32) -> (i32, i32) {
    %c0_i32 = arith.constant 0 : i32
    %c0_i32_0 = arith.constant 0 : i32
    %c0_i32_1 = arith.constant 0 : i32
    return %c0_i32, %c0_i32_0 : i32, i32
  }
  func.func @transform_9(%arg0: i32) -> (i32, i32) {
    %c0_i32 = arith.constant 0 : i32
    %c0_i32_0 = arith.constant 0 : i32
    %c0_i32_1 = arith.constant 0 : i32
    return %c0_i32, %c0_i32_0 : i32, i32
  }
  func.func @transform_10(%arg0: i32) -> (i32, i32) {
    %c0_i32 = arith.constant 0 : i32
    %c0_i32_0 = arith.constant 0 : i32
    %c0_i32_1 = arith.constant 0 : i32
    return %c0_i32, %c0_i32_0 : i32, i32
  }
  func.func @transform_11(%arg0: i32) -> (i32, i32) {
    %c0_i32 = arith.constant 0 : i32
    %c0_i32_0 = arith.constant 0 : i32
    %c0_i32_1 = arith.constant 0 : i32
    return %c0_i32, %c0_i32_0 : i32, i32
  }
  func.func @transform_12(%arg0: i32) -> (i32, i32) {
    %c0_i32 = arith.constant 0 : i32
    %c0_i32_0 = arith.constant 0 : i32
    %c0_i32_1 = arith.constant 0 : i32
    return %c0_i32, %c0_i32_0 : i32, i32
  }
  func.func @transform_13(%arg0: i32) -> (i32, i32) {
    %c0_i32 = arith.constant 0 : i32
    %c0_i32_0 = arith.constant 0 : i32
    return %arg0, %c0_i32 : i32, i32
  }
}

</mosaic_0001>

<sc_bundles>
// kernel: kernel.11.cloned.1.call-start
scs
__scs_entry_jumppad:
0x0: {  	(pc) =	sbr.rel $0x88, $3  }
0x1: {  	(tag) =	ssettag $0x0;
	lr =	simm.s32 $0x1  }
0x2: {  	[smem:$0x3F93] =	sst lr;
	_ =	strace $0xD0000000  }
0x3: {  	_ = 	snop  }
0x4: {  	_ = 	snop  }
0x5: {  	_ = 	snop  }
0x6: {  	_ = 	snop  }
0x7: {  	_ = 	snop  }
__scs_overlays_trampoline_lowered:
0x8: {  	[smem:$0x3FA2] =	sst s0  }
0x9: {  	[smem:$0x3FA3] =	sst s1  }
0xa: {  	[smem:$0x3FA4] =	sst s2  }
0xb: {  	[smem:$0x3FA5] =	sst s3  }
0xc: {  	[smem:$0x3FA6] =	sst s4  }
0xd: {  	[smem:$0x3FA7] =	sst s5  }
0xe: {  	[smem:$0x3FA8] =	sst s6  }
0xf: {  	[smem:$0x3FA9] =	sst s7  }
0x10: {  	[smem:$0x3FAA] =	sst s8  }
0x11: {  	[smem:$0x3FAB] =	sst s9;
	s0 =	simm.s32 @!p0 $0x0  }
0x12: {  	s1 =	sld [smem:$0x3F91];
	s0 =	simm.s32 @p0 $0x1  }
0x13: {  	[smem:$0x3FAC] =	sst s0;
	s0 =	simm.s32 @!p1 $0x0  }
0x14: {  	s2 =	sld [smem:$0x3F90];
	s0 =	simm.s32 @p1 $0x1  }
0x15: {  	[smem:$0x3FAD] =	sst s0;
	s0 =	simm.s32 @!p2 $0x0  }
0x16: {  	s3 =	sld [smem:$0x3FDB];
	s0 =	simm.s32 @p2 $0x1  }
0x17: {  	s4 =	simm.s32 $0x1BF5;
	[smem:$0x3FAF] =	sst s0  }
0x18: {  	s0 =	sld [smem:$0x3F92];
	_ =	swait.ge [sflag:s4], $0x0  }
0x19: {  	s7 =	sld [smem:$0x3F93]  }
0x1a: {  	s8 =	sadd.s32 $0xFFFFE003, lr  }
0x1b: {  	s9 =	sadd.s32 $0xFFFFFEF7, lr;
	s5 =	simm.s32 $0xFFFFFFFF;
	p2 =	slt.u32 s8, $0xFFFFF086  }
0x1c: {  	p1 =	slt.u32 s9, $0xF7A;
	s5 =	simm.s32 @!p2 $0x0  }
0x1d: {  	s5 =	simm.s32 @p1 $0x1;
	p0 =	seq.s32 s7, s2  }
0x1e: {  	s7 =	smul.u32 @!p0 $0xF7A, s2;
	p2 =	seq.s32 @!p0 s5, $0x0  }
0x1f: {  	s9 =	smul.u32 $0xF7A, s1;
	s8 =	simm.s32 @!p0 $0x1BF5;
	p2 =	por !p2, p0  }
0x20: {  	[sflag:s8] =	ssyncset.s32 @!p0 $0xFFFFF086;
	s6 =	sadd.s32 @!p0 s3, s7;
	s7 =	simm.s32 @!p0 $0x108  }
0x21: {  	s3 =	sadd.s32 s3, s9;
	s6 =	sadd.s32 @!p0 $0x88, s6;
	s7 =	simm.s32 @p2 $0x1082  }
0x22: {  	[simem:s7], [sflag:s8] =	dma.local @!p0 [hbm:s6], $0xF7A  }
0x23: {  	s9 =	sor.u32 $0xD0000000, s2;
	s6 =	simm.s32 $0x108;
	_ =	swait.ge @!p0 [sflag:s8], $0x0  }
0x24: {  	s3 =	sadd.s32 $0x88, s3;
	s6 =	simm.s32 @!p1 $0x1082;
	[sflag:s4] =	ssyncset.s32 $0xFFFFF086  }
0x25: {  	[simem:s6], [sflag:s4] =	dma.local [hbm:s3], $0xF7A  }
0x26: {  	[smem:$0x3F93] =	sst s1;
	(tag) =	ssettag s2;
	_ =	strace s9  }
0x27: {  	s1 =	sld [smem:$0x3FA3]  }
0x28: {  	s2 =	sld [smem:$0x3FA4]  }
0x29: {  	s4 =	sld [smem:$0x3FA6]  }
0x2a: {  	p0 =	seq.s32 s5, $0x0;
	s5 =	sld [smem:$0x3FA7]  }
0x2b: {  	s6 =	sld [smem:$0x3FA8]  }
0x2c: {  	s7 =	sld [smem:$0x3FA9]  }
0x2d: {  	s3 =	simm.s32 $0x108;
	s8 =	sld [smem:$0x3FAA]  }
0x2e: {  	s3 =	simm.s32 @!p0 $0x1082;
	s9 =	sld [smem:$0x3FAB]  }
0x2f: {  	lr =	sadd.s32 s0, s3;
	s0 =	sld [smem:$0x3FA2]  }
0x30: {  	s3 =	sld [smem:$0x3FA5]  }
0x31: {  	[smem:$0x3FAE] =	sst s10  }
0x32: {  	s10 =	sld [smem:$0x3FAC];
	_ =	sdelay $0x3  }
0x33: {  	p0 =	seq.s32 s10, $0x1;
	s10 =	sld [smem:$0x3FAE];
	_ =	sdelay $0x3  }
0x34: {  	[smem:$0x3FAE] =	sst s10  }
0x35: {  	s10 =	sld [smem:$0x3FAD];
	_ =	sdelay $0x3  }
0x36: {  	p1 =	seq.s32 s10, $0x1;
	s10 =	sld [smem:$0x3FAE];
	_ =	sdelay $0x3  }
0x37: {  	[smem:$0x3FAE] =	sst s10  }
0x38: {  	s10 =	sld [smem:$0x3FAF]  }
0x39: {  	_ = 	snop;
	(pc) =	sbr.ind lr, $3  }
0x3a: {  	_ = 	snop  }
0x3b: {  	_ = 	snop  }
0x3c: {  	p2 =	seq.s32 s10, $0x1;
	s10 =	sld [smem:$0x3FAE]  }
0x3d: {  	_ =	shalt  }
0x3e: {  	_ =	shalt  }
0x3f: {  	_ =	shalt  }
0x40: {  	_ =	shalt  }
0x41: {  	_ =	shalt  }
0x42: {  	_ =	shalt  }
0x43: {  	_ =	shalt  }
0x44: {  	_ =	shalt  }
0x45: {  	_ =	shalt  }
0x46: {  	_ =	shalt  }
0x47: {  	_ =	shalt  }
0x48: {  	_ =	shalt  }
0x49: {  	_ =	shalt  }
0x4a: {  	_ =	shalt  }
0x4b: {  	_ =	shalt  }
0x4c: {  	_ =	shalt  }
0x4d: {  	_ =	shalt  }
0x4e: {  	_ =	shalt  }
0x4f: {  	_ =	shalt  }
0x50: {  	_ =	shalt  }
0x51: {  	_ =	shalt  }
0x52: {  	_ =	shalt  }
0x53: {  	_ =	shalt  }
0x54: {  	_ =	shalt  }
0x55: {  	_ =	shalt  }
0x56: {  	_ =	shalt  }
0x57: {  	_ =	shalt  }
0x58: {  	_ =	shalt  }
0x59: {  	_ =	shalt  }
0x5a: {  	_ =	shalt  }
0x5b: {  	_ =	shalt  }
0x5c: {  	_ =	shalt  }
0x5d: {  	_ =	shalt  }
0x5e: {  	_ =	shalt  }
0x5f: {  	_ =	shalt  }
0x60: {  	_ =	shalt  }
0x61: {  	_ =	shalt  }
0x62: {  	_ =	shalt  }
0x63: {  	_ =	shalt  }
0x64: {  	_ =	shalt  }
0x65: {  	_ =	shalt  }
0x66: {  	_ =	shalt  }
0x67: {  	_ =	shalt  }
0x68: {  	_ =	shalt  }
0x69: {  	_ =	shalt  }
0x6a: {  	_ =	shalt  }
0x6b: {  	_ =	shalt  }
0x6c: {  	_ =	shalt  }
0x6d: {  	_ =	shalt  }
0x6e: {  	_ =	shalt  }
0x6f: {  	_ =	shalt  }
0x70: {  	_ =	shalt  }
0x71: {  	_ =	shalt  }
0x72: {  	_ =	shalt  }
0x73: {  	_ =	shalt  }
0x74: {  	_ =	shalt  }
0x75: {  	_ =	shalt  }
0x76: {  	_ =	shalt  }
0x77: {  	_ =	shalt  }
0x78: {  	_ =	shalt  }
0x79: {  	_ =	shalt  }
0x7a: {  	_ =	shalt  }
0x7b: {  	_ =	shalt  }
0x7c: {  	_ =	shalt  }
0x7d: {  	_ =	shalt  }
0x7e: {  	_ =	shalt  }
0x7f: {  	_ =	shalt  }
0x80: {  	_ =	shalt  }
0x81: {  	_ =	shalt  }
0x82: {  	_ =	shalt  }
0x83: {  	_ =	shalt  }
0x84: {  	_ =	shalt  }
0x85: {  	_ =	shalt  }
0x86: {  	_ =	shalt  }
0x87: {  	_ =	shalt  }
.Lfunc_end0:
.L_simem_size_0:
called_computation.1_lowered:
.L_overlay_start_0:
0x88: {  	s2 =	sld [smem:$0x3FD9]  }
0x89: {  	s3 =	sld [smem:$0x3FFE];
	_ =	sdelay $0x1  }
0x8a: {  	s1 =	srdreg.scid  }
0x8b: {  	s0 =	sand.u32 $0x1, s1  }
0x8c: {  	s17 =	sshll.u32 s0, $0xA;
	s2 =	sadd.s32 s3, s2  }
0x8d: {  	s2 =	sadd.s32 s2, s17  }
0x8e: {  	[smem:$0x3FBA] =	sst s2  }
0x8f: {  	_ = 	snop  }
0x90: {  	s2 =	sld [smem:$0x3FD0];
	(tm) =	ssettm $0x1  }
0x91: {  	s18 =	sld [smem:$0x3FFB];
	_ =	sdelay $0x3  }
0x92: {  	_ =	strace s18  }
0x93: {  	s3 =	sld [smem:$0x3FFC];
	_ =	sdelay $0x3  }
0x94: {  	_ =	strace s3  }
0x95: {  	s3 =	sld [smem:$0x3FFD];
	_ =	sdelay $0x3  }
0x96: {  	_ =	strace s3  }
0x97: {  	_ =	strace $0x8FFFFFFF  }
0x98: {  	s19 =	sld [smem:$0x3FDB];
	_ =	sdelay $0x1  }
0x99: {  	s4 =	simm.s32 $_scs_section_size  }
0x9a: {  	s5 =	simm.s32 $_size__tile_overlayer_lowered;
	s6 =	simm.s32 $_tile_overlayer_lowered  }
0x9b: {  	s22 =	simm.s32 $0x1BFF;
	s21 =	sshll.u32 s6, $0x1;
	s3 =	sadd.s32 s4, s19  }
0x9c: {  	s7 =	simm.s32 $0x0;
	s20 =	sshll.u32 s5, $0x1;
	s5 =	sadd.s32 s21, s3  }
0x9d: {  	[timem:s7], [sflag:s22] =	dma.local [hbm:s5], s20  }
0x9e: {  	_ =	swait.ge [sflag:s22], s20  }
0x9f: {  	s4 =	ssub.s32 $0x0, s20;
	[sflag:s22] =	ssyncset.done $0x0  }
0xa0: {  	[sflag:s22] =	ssyncadd.s32 s4;
	_ =	sdelay $0x1  }
0xa1: {  	s23 =	simm.s32 $0x1B8B  }
0xa2: {  	_ =	swait.ge [sflag:s23], $0x1  }
0xa3: {  	[sflag:s23] =	ssyncset.done $0x0  }
0xa4: {  	s25 =	simm.s32 $0x1B8E;
	s24 =	sld [smem:$0x3FFE];
	[sflag:s23] =	ssyncadd.s32 $0xFFFFFFFF  }
0xa5: {  	s26 =	simm.s32 $execute0_lowered;
	[smem:$0x3FD2] =	sst s25  }
0xa6: {  	s5 =	sshll.u32 s26, $0x1;
	_ =	strace $0x80000049;
	[dreg:$0x1] =	wrdreg $0xFFFFFFFF  }
0xa7: {  	s28 =	simm.s32 $_size_execute0_lowered;
	s3 =	sadd.s32 s3, s5;
	[dreg:$0x0] =	wrdreg $0x0  }
0xa8: {  	s5 =	sshll.u32 s28, $0x1;
	[dreg:$0x2] =	wrdreg s3  }
0xa9: {  	[dreg:$0x3] =	wrdreg s5  }
0xaa: {  	[dreg:$0x4] =	wrdreg $0xC0  }
0xab: {  	_ =	task [dreg:s7], $0x5FFFF  }
0xac: {  	[dreg:$0x1] =	wrdreg $0xFFFFFFFF  }
0xad: {  	[dreg:$0x0] =	wrdreg $0x60  }
0xae: {  	[dreg:$0x2] =	wrdreg s24  }
0xaf: {  	[dreg:$0x3] =	wrdreg s2  }
0xb0: {  	[dreg:$0x4] =	wrdreg $0xBC000  }
0xb1: {  	[dreg:$0x5] =	wrdreg $0x9  }
0xb2: {  	_ =	task.clear_ibuf [dreg:s7], $0x6FFFF;
	_ =	strace $0x90000049  }
0xb3: {  	s29 =	simm.s32 $0x9;
	_ =	strace $0x8000004B  }
0xb4: {  	_ =	swait.ge [sflag:s29], $0x1  }
0xb5: {  	[sflag:s29] =	ssyncadd.s32 $0xFFFFFFFF  }
0xb6: {  	_ =	strace $0x9000004B  }
0xb7: {  	_ =	sfence  }
0xb8: {  	s30 =	sld [smem:$0x0];
	_ =	sdelay $0x2  }
0xb9: {  	s31 =	sshll.u32 s1, $0xD;
	s1 =	sshrl.u32 s1, $0x2  }
0xba: {  	s3 =	sand.u32 $0x4000, s31;
	s1 =	sadd.s32 s1, s30  }
0xbb: {  	s0 =	sor.u32 s3, s0;
	s1 =	sshll.u32 s1, $0x11  }
0xbc: {  	s0 =	sor.u32 s1, s0  }
0xbd: {  	s0 =	sadd.s32 $0x8F2B, s0  }
0xbe: {  	[sflag:s0] =	ssyncadd.remote.s32 $0x1  }
0xbf: {  	_ =	sfence.sel $0xFFFF  }
0xc0: {  	[dreg:$0x0] =	wrdreg $0xFFFFFFFF;
	(pc) =	sbr.abs _section_cstart, $3  }
0xc1: {  	[dreg:$0x1] =	wrdreg $0xFFFFFFFF  }
0xc2: {  	_ =	task.clear_ibuf [dreg:s7], $0x2FFFF;
	_ =	strace $0x9FFFFFFF  }
0xc3: {  	(tm) =	ssettm $0x7FFFFFFF  }
tec
execute0_lowered:
.L_overlay_start_1:
0x0: {  	(tag) =	ssettag $0x1  }
0x1: {  	s5 =	rddreg [dreg:$0x0]  }
0x2: {  	s7 =	rddreg [dreg:$0x1]  }
0x3: {  	s1 =	rddreg [dreg:$0x2]  }
0x4: {  	s0 =	rddreg [dreg:$0x3];
	s3 =	simm.s32 $0x0;
	s2 =	stileid.u32  }
0x5: {  	s6 =	srdreg.scid;
	s15 =	simm.s32 $0x5400;
	s16 =	simm.s32 $0x3  }
0x6: {  	s17 =	simm.s32 $0x8800;
	s18 =	simm.s32 $0x4;
	s21 =	simm.s32 $0x1  }
0x7: {  	[smem:$0x7FF] =	sst s3;
	s4 =	sadd.s32 $0x35E00, s5;
	s19 =	smul.u32 $0x2800, s2  }
0x8: {  	s11 =	sshll.u32 s2, $0xC;
	s6 =	sand.u32 $0x1, s6;
	s8 =	smul.u32 $0x50000, s2  }
0x9: {  	s30 =	sshll.u32 s2, $0x6;
	_ =	strace $0x8000004A;
	s9 =	sadd.s32 s11, s5  }
0xa: {  	s10 =	smul.u32 $0x28000, s6;
	s12 =	ssub.s32 $0x2, s6;
	s31 =	sshll.u32 s6, $0x10  }
0xb: {  	s6 =	sor.u32 $0x1C05, s30;
	s13 =	sadd.s32 s19, s5;
	s14 =	sshrl.u32 s12, $0x1  }
0xc: {  	s8 =	sshrl.u32 s8, $0x2;
	s10 =	sadd.s32 s10, s5;
	s12 =	ssub.s32 s12, s14  }
.Ltmp0:
0xd: {  	s29 =	sadd.s32 s8, s1;
	s5 =	sadd.s32 $0xDE00, s13;
	(pc) =	sbr.rel .LBB2_1-.Ltmp0, $4  }
0xe: {  	s13 =	sadd.s32 s7, s31;
	s7 =	sadd.s32 $0x85E00, s9;
	s14 =	simm.s32 $0x80  }
0xf: {  	s20 =	sadd.s32 $0x95E00, s10;
	s8 =	smax.u32 s12, $0x1;
	s9 =	sshrl.u32 s29, $0x3  }
0x10: {  	s10 =	simm.s32 $0x5;
	s11 =	sadd.s32 s11, s13;
	s12 =	simm.s32 $0x64  }
0x11: {  	s13 =	simm.s32 $0x2000;
	s19 =	sadd.s32 s19, s20;
	s20 =	simm.s32 $0x2  }
.LBB2_11:
0x12: {  	s3 =	sadd.s32 $0x1, s3  }
0x13: {  	p0 =	sne.s32 s3, s8  }
.Ltmp1:
0x14: {  	[bflag:$0x0] =	sbarrier.arrive $0xFFFF;
	(pc) =	sbr.rel @!p0 .LBB2_12-.Ltmp1, $4  }
0x15: {  	[hbm:s19], [sflag:s6] =	dma.local [spmem:s9], $0x2800  }
0x16: {  	_ =	swait.ge [sflag:s10], $0x2800  }
0x17: {  	[sflag:s10] =	ssyncset.done $0x0  }
0x18: {  	[sflag:s10] =	ssyncadd.s32 $0xFFFFD800  }
.LBB2_1:
0x19: {  	[spmem:s9], [sflag:s6] =	dma.local [hbm:s5], $0x2800  }
.Ltmp2:
0x1a: {  	_ =	swait.ge [sflag:s10], $0x2800;
	(pc) =	sbr.rel .LBB2_2-.Ltmp2, $4  }
0x1b: {  	[sflag:s10] =	ssyncset.done $0x0  }
0x1c: {  	[sflag:s10] =	ssyncadd.s32 $0xFFFFD800  }
0x1d: {  	[bflag:$0x0] =	sbarrier.arrive $0xFFFF  }
0x1e: {  	s22 =	simm.s32 $0x0  }
.LBB2_10:
0x1f: {  	s22 =	sadd.s32 $0x1, s22  }
0x20: {  	p0 =	sne.s32 s22, $0x8  }
.Ltmp3:
0x21: {  	_ = 	snop;
	(pc) =	sbr.rel @!p0 .LBB2_11-.Ltmp3, $4  }
0x22: {  	_ = 	snop  }
0x23: {  	_ =	swait.ge [sflag:s18], $0x3200  }
0x24: {  	[sflag:s18] =	ssyncset.done $0x0  }
0x25: {  	[sflag:s18] =	ssyncadd.s32 $0xFFFFCE00  }
.LBB2_2:
0x26: {  	s24 =	sshll.u32 s22, $0x9  }
0x27: {  	s23 =	simm.s32 $0x0;
	s25 =	sadd.s32 s24, s11  }
0x28: {  	[tilespmem:s23], [sflag:$0x5] =	stream.linear.gather [hbm4b:s25+s23], $0xC80, $0x38;
	[tilespmem:$0x1FC00] =	vst v63  }
0x29: {  	_ =	swait.ge [sflag:s10], $0xC80  }
0x2a: {  	[sflag:s10] =	ssyncset.done $0x0  }
0x2b: {  	s31 =	sadd.s32 s24, s7;
	s24 =	simm.s32 $0x1000;
	[sflag:s10] =	ssyncadd.s32 $0xFFFFF380  }
0x2c: {  	[tilespmem:s24], [sflag:$0x5] =	stream.linear.gather [hbm4b:s31+s23], $0xC80, $0x38;
	[tilespmem:$0x1FC00] =	vst v63  }
0x2d: {  	_ =	swait.ge [sflag:s10], $0xC80  }
.Ltmp4:
0x2e: {  	[sflag:s10] =	ssyncset.done $0x0;
	(pc) =	sbr.rel .LBB2_3-.Ltmp4, $4  }
0x2f: {  	[sflag:s10] =	ssyncadd.s32 $0xFFFFF380  }
0x30: {  	[tilespmem:s13], [sflag:$0x1] =	stream.indirect.gather [hbm4b:s4+s12], $0x80, s23, s12, $0xb8;
	[tilespmem:$0x1FC00] =	vst v63  }
0x31: {  	s25 =	simm.s32 $0x100  }
0x32: {  	[tilespmem:s15], [sflag:$0x2] =	stream.indirect.gather [hbm4b:s4+s12], $0x80, s14, s12, $0xb8;
	[tilespmem:$0x1FC00] =	vst v63  }
.LBB2_8:
0x33: {  	_ =	swait.ge [sflag:s16], $0x3200  }
0x34: {  	[sflag:s16] =	ssyncset.done $0x0  }
0x35: {  	[sflag:s16] =	ssyncadd.s32 $0xFFFFCE00  }
0x36: {  	[spmem:s1] =	stream.indirect.scatter.add.f32 [tilespmem:s17], [sflag:$0x4], $0x80, s24, s12, $0xb8;
	[tilespmem:$0x1FC00] =	vst v63  }
0x37: {  	_ =	swait.ge [sflag:s18], $0x3200  }
0x38: {  	p0 =	sgt.u32 s23, $0x16;
	[sflag:s18] =	ssyncset.done $0x0  }
0x39: {  	s26 =	simm.s32 @!p0 $0x64;
	s28 =	simm.s32 @!p0 $0x5400;
	[sflag:s18] =	ssyncadd.s32 $0xFFFFCE00  }
0x3a: {  	[tilespmem:s28], [sflag:$0x2] =	stream.indirect.gather @!p0 [hbm4b:s4+s26], $0x80, s25, s26, $0xb8;
	[tilespmem:$0x1FC00] =	vst v63  }
.LBB2_9:
0x3b: {  	s23 =	sadd.s32 $0x1, s23  }
0x3c: {  	p0 =	sne.s32 s23, $0x19  }
.Ltmp5:
0x3d: {  	_ = 	snop;
	(pc) =	sbr.rel @!p0 .LBB2_10-.Ltmp5, $2  }
0x3e: {  	_ =	sdelay $0x2  }
0x3f: {  	s25 =	sadd.s32 $0x80, s25;
	s24 =	sadd.s32 $0x80, s24  }
.LBB2_3:
0x40: {  	s26 =	smul.u32 $0xAB, s23;
	_ =	sdelay $0x1  }
0x41: {  	s26 =	sshrl.u32 s26, $0x9  }
0x42: {  	s26 =	sand.u32 $0x7F, s26  }
0x43: {  	s26 =	smul.u32 $0x3, s26;
	_ =	sdelay $0x1  }
0x44: {  	s26 =	ssub.s32 s23, s26  }
0x45: {  	s26 =	sand.u32 $0xFF, s26  }
0x46: {  	p0 =	seq.s32 s26, $0x2  }
.Ltmp6:
0x47: {  	_ = 	snop;
	(pc) =	sbr.rel @p0 .LBB2_8-.Ltmp6, $1  }
0x48: {  	_ =	sdelay $0x3  }
0x49: {  	p0 =	seq.s32 s26, $0x1  }
.Ltmp7:
0x4a: {  	_ = 	snop;
	(pc) =	sbr.rel @!p0 .LBB2_5-.Ltmp7, $1  }
0x4b: {  	_ =	sdelay $0x3  }
0x4c: {  	_ =	swait.ge [sflag:s20], $0x3200  }
0x4d: {  	[sflag:s20] =	ssyncset.done $0x0  }
0x4e: {  	[sflag:s20] =	ssyncadd.s32 $0xFFFFCE00  }
0x4f: {  	[spmem:s1] =	stream.indirect.scatter.add.f32 [tilespmem:s15], [sflag:$0x4], $0x80, s24, s12, $0xb8;
	[tilespmem:$0x1FC00] =	vst v63  }
.Ltmp8:
0x50: {  	_ = 	snop;
	(pc) =	sbr.rel .LBB2_9-.Ltmp8, $4  }
0x51: {  	_ =	swait.ge [sflag:s18], $0x3200  }
0x52: {  	p0 =	sgt.u32 s23, $0x16;
	[sflag:s18] =	ssyncset.done $0x0  }
0x53: {  	s26 =	simm.s32 @!p0 $0x64;
	s28 =	simm.s32 @!p0 $0x2000;
	[sflag:s18] =	ssyncadd.s32 $0xFFFFCE00  }
0x54: {  	[tilespmem:s28], [sflag:$0x1] =	stream.indirect.gather @!p0 [hbm4b:s4+s26], $0x80, s25, s26, $0xb8;
	[tilespmem:$0x1FC00] =	vst v63  }
.LBB2_5:
0x55: {  	p0 =	seq.s32 s23, $0x0  }
0x56: {  	_ =	swait.ge [sflag:s21], $0x3200;
	p1 =	sgt.u32 @!p0 s23, $0x16  }
0x57: {  	[sflag:s21] =	ssyncset.done $0x0;
	p1 =	por p0, !p1  }
.Ltmp9:
0x58: {  	s26 =	simm.s32 @!p0 $0x4;
	[sflag:s21] =	ssyncadd.s32 $0xFFFFCE00;
	(pc) =	sbr.rel @!p1 .LBB2_9-.Ltmp9, $4  }
0x59: {  	[spmem:s1] =	stream.indirect.scatter.add.f32 [tilespmem:s13], [sflag:$0x4], $0x80, s24, s12, $0xb8;
	[tilespmem:$0x1FC00] =	vst v63  }
0x5a: {  	_ =	swait.ge @!p0 [sflag:s26], $0x3200  }
0x5b: {  	[sflag:s26] =	ssyncset.done @!p0 $0x0  }
0x5c: {  	[sflag:s26] =	ssyncadd.s32 @!p0 $0xFFFFCE00  }
.Ltmp10:
0x5d: {  	(pc) =	sbr.rel .LBB2_9-.Ltmp10, $2  }
0x5e: {  	_ =	sdelay $0x2  }
0x5f: {  	[tilespmem:s17], [sflag:$0x3] =	stream.indirect.gather [hbm4b:s4+s12], $0x80, s25, s12, $0xb8;
	[tilespmem:$0x1FC00] =	vst v63  }
.LBB2_12:
0x60: {  	_ =	sfence.sel $0x180000  }
0x61: {  	[bflag:$0x0] =	sbarrier.arrive $0xFFFF  }
0x62: {  	p0 =	sne.s32 s2, $0x0;
	_ =	strace $0x9000004A  }
0x63: {  	s0 =	sadd.s32 @!p0 $0x100000, s0;
	[bflag:$0x2] =	sbarrier.arrive $0xFFFF  }
0x64: {  	[sflag:s0] =	ssyncadd.tile.s32 @!p0 $0x1;
	_ =	shalt  }
.Lfunc_end2:
_tile_overlayer_lowered:
.L_overlay_start_2:
0x65: {  	(tag) =	ssettag $0x2  }
0x66: {  	s0 =	rddreg [dreg:$0x0];
	s2 =	stileid.u32  }
0x67: {  	s1 =	rddreg [dreg:$0x1];
	p0 =	sne.s32 s2, $0x0  }
0x68: {  	s3 =	rddreg [dreg:$0x2];
	[bflag:$0x3] =	sbarrier.arrive $0xFFFF;
	s2 =	simm.s32 @!p0 $0x1C05  }
0x69: {  	[timem:s3], [sflag:s2] =	dma.local @!p0 [hbm:s0], s1  }
0x6a: {  	s0 =	simm.s32 @!p0 $0x5  }
0x6b: {  	_ =	swait.ge @!p0 [sflag:s0], s1  }
0x6c: {  	s1 =	ssub.s32 @!p0 $0x0, s1;
	[sflag:s0] =	ssyncset.done @!p0 $0x0  }
0x6d: {  	[sflag:s0] =	ssyncadd.s32 @!p0 s1  }
0x6e: {  	[bflag:$0x3] =	sbarrier.arrive $0xFFFF  }
0x6f: {  	_ =	shalt  }

// kernel: kernel.14.cloned.1.call-start
scs
__scs_entry_jumppad:
0x0: {  	(pc) =	sbr.rel $0x88, $3  }
0x1: {  	(tag) =	ssettag $0x0;
	lr =	simm.s32 $0x1  }
0x2: {  	[smem:$0x3F93] =	sst lr;
	_ =	strace $0xD0000000  }
0x3: {  	_ = 	snop  }
0x4: {  	_ = 	snop  }
0x5: {  	_ = 	snop  }
0x6: {  	_ = 	snop  }
0x7: {  	_ = 	snop  }
__scs_overlays_trampoline_lowered:
0x8: {  	[smem:$0x3FA2] =	sst s0  }
0x9: {  	[smem:$0x3FA3] =	sst s1  }
0xa: {  	[smem:$0x3FA4] =	sst s2  }
0xb: {  	[smem:$0x3FA5] =	sst s3  }
0xc: {  	[smem:$0x3FA6] =	sst s4  }
0xd: {  	[smem:$0x3FA7] =	sst s5  }
0xe: {  	[smem:$0x3FA8] =	sst s6  }
0xf: {  	[smem:$0x3FA9] =	sst s7  }
0x10: {  	[smem:$0x3FAA] =	sst s8  }
0x11: {  	[smem:$0x3FAB] =	sst s9;
	s0 =	simm.s32 @!p0 $0x0  }
0x12: {  	s1 =	sld [smem:$0x3F91];
	s0 =	simm.s32 @p0 $0x1  }
0x13: {  	[smem:$0x3FAC] =	sst s0;
	s0 =	simm.s32 @!p1 $0x0  }
0x14: {  	s2 =	sld [smem:$0x3F90];
	s0 =	simm.s32 @p1 $0x1  }
0x15: {  	[smem:$0x3FAD] =	sst s0;
	s0 =	simm.s32 @!p2 $0x0  }
0x16: {  	s3 =	sld [smem:$0x3FDB];
	s0 =	simm.s32 @p2 $0x1  }
0x17: {  	s4 =	simm.s32 $0x1BF5;
	[smem:$0x3FAF] =	sst s0  }
0x18: {  	s0 =	sld [smem:$0x3F92];
	_ =	swait.ge [sflag:s4], $0x0  }
0x19: {  	s7 =	sld [smem:$0x3F93]  }
0x1a: {  	s8 =	sadd.s32 $0xFFFFE003, lr  }
0x1b: {  	s9 =	sadd.s32 $0xFFFFFEF7, lr;
	s5 =	simm.s32 $0xFFFFFFFF;
	p2 =	slt.u32 s8, $0xFFFFF086  }
0x1c: {  	p1 =	slt.u32 s9, $0xF7A;
	s5 =	simm.s32 @!p2 $0x0  }
0x1d: {  	s5 =	simm.s32 @p1 $0x1;
	p0 =	seq.s32 s7, s2  }
0x1e: {  	s7 =	smul.u32 @!p0 $0xF7A, s2;
	p2 =	seq.s32 @!p0 s5, $0x0  }
0x1f: {  	s9 =	smul.u32 $0xF7A, s1;
	s8 =	simm.s32 @!p0 $0x1BF5;
	p2 =	por !p2, p0  }
0x20: {  	[sflag:s8] =	ssyncset.s32 @!p0 $0xFFFFF086;
	s6 =	sadd.s32 @!p0 s3, s7;
	s7 =	simm.s32 @!p0 $0x108  }
0x21: {  	s3 =	sadd.s32 s3, s9;
	s6 =	sadd.s32 @!p0 $0x88, s6;
	s7 =	simm.s32 @p2 $0x1082  }
0x22: {  	[simem:s7], [sflag:s8] =	dma.local @!p0 [hbm:s6], $0xF7A  }
0x23: {  	s9 =	sor.u32 $0xD0000000, s2;
	s6 =	simm.s32 $0x108;
	_ =	swait.ge @!p0 [sflag:s8], $0x0  }
0x24: {  	s3 =	sadd.s32 $0x88, s3;
	s6 =	simm.s32 @!p1 $0x1082;
	[sflag:s4] =	ssyncset.s32 $0xFFFFF086  }
0x25: {  	[simem:s6], [sflag:s4] =	dma.local [hbm:s3], $0xF7A  }
0x26: {  	[smem:$0x3F93] =	sst s1;
	(tag) =	ssettag s2;
	_ =	strace s9  }
0x27: {  	s1 =	sld [smem:$0x3FA3]  }
0x28: {  	s2 =	sld [smem:$0x3FA4]  }
0x29: {  	s4 =	sld [smem:$0x3FA6]  }
0x2a: {  	p0 =	seq.s32 s5, $0x0;
	s5 =	sld [smem:$0x3FA7]  }
0x2b: {  	s6 =	sld [smem:$0x3FA8]  }
0x2c: {  	s7 =	sld [smem:$0x3FA9]  }
0x2d: {  	s3 =	simm.s32 $0x108;
	s8 =	sld [smem:$0x3FAA]  }
0x2e: {  	s3 =	simm.s32 @!p0 $0x1082;
	s9 =	sld [smem:$0x3FAB]  }
0x2f: {  	lr =	sadd.s32 s0, s3;
	s0 =	sld [smem:$0x3FA2]  }
0x30: {  	s3 =	sld [smem:$0x3FA5]  }
0x31: {  	[smem:$0x3FAE] =	sst s10  }
0x32: {  	s10 =	sld [smem:$0x3FAC];
	_ =	sdelay $0x3  }
0x33: {  	p0 =	seq.s32 s10, $0x1;
	s10 =	sld [smem:$0x3FAE];
	_ =	sdelay $0x3  }
0x34: {  	[smem:$0x3FAE] =	sst s10  }
0x35: {  	s10 =	sld [smem:$0x3FAD];
	_ =	sdelay $0x3  }
0x36: {  	p1 =	seq.s32 s10, $0x1;
	s10 =	sld [smem:$0x3FAE];
	_ =	sdelay $0x3  }
0x37: {  	[smem:$0x3FAE] =	sst s10  }
0x38: {  	s10 =	sld [smem:$0x3FAF]  }
0x39: {  	_ = 	snop;
	(pc) =	sbr.ind lr, $3  }
0x3a: {  	_ = 	snop  }
0x3b: {  	_ = 	snop  }
0x3c: {  	p2 =	seq.s32 s10, $0x1;
	s10 =	sld [smem:$0x3FAE]  }
0x3d: {  	_ =	shalt  }
0x3e: {  	_ =	shalt  }
0x3f: {  	_ =	shalt  }
0x40: {  	_ =	shalt  }
0x41: {  	_ =	shalt  }
0x42: {  	_ =	shalt  }
0x43: {  	_ =	shalt  }
0x44: {  	_ =	shalt  }
0x45: {  	_ =	shalt  }
0x46: {  	_ =	shalt  }
0x47: {  	_ =	shalt  }
0x48: {  	_ =	shalt  }
0x49: {  	_ =	shalt  }
0x4a: {  	_ =	shalt  }
0x4b: {  	_ =	shalt  }
0x4c: {  	_ =	shalt  }
0x4d: {  	_ =	shalt  }
0x4e: {  	_ =	shalt  }
0x4f: {  	_ =	shalt  }
0x50: {  	_ =	shalt  }
0x51: {  	_ =	shalt  }
0x52: {  	_ =	shalt  }
0x53: {  	_ =	shalt  }
0x54: {  	_ =	shalt  }
0x55: {  	_ =	shalt  }
0x56: {  	_ =	shalt  }
0x57: {  	_ =	shalt  }
0x58: {  	_ =	shalt  }
0x59: {  	_ =	shalt  }
0x5a: {  	_ =	shalt  }
0x5b: {  	_ =	shalt  }
0x5c: {  	_ =	shalt  }
0x5d: {  	_ =	shalt  }
0x5e: {  	_ =	shalt  }
0x5f: {  	_ =	shalt  }
0x60: {  	_ =	shalt  }
0x61: {  	_ =	shalt  }
0x62: {  	_ =	shalt  }
0x63: {  	_ =	shalt  }
0x64: {  	_ =	shalt  }
0x65: {  	_ =	shalt  }
0x66: {  	_ =	shalt  }
0x67: {  	_ =	shalt  }
0x68: {  	_ =	shalt  }
0x69: {  	_ =	shalt  }
0x6a: {  	_ =	shalt  }
0x6b: {  	_ =	shalt  }
0x6c: {  	_ =	shalt  }
0x6d: {  	_ =	shalt  }
0x6e: {  	_ =	shalt  }
0x6f: {  	_ =	shalt  }
0x70: {  	_ =	shalt  }
0x71: {  	_ =	shalt  }
0x72: {  	_ =	shalt  }
0x73: {  	_ =	shalt  }
0x74: {  	_ =	shalt  }
0x75: {  	_ =	shalt  }
0x76: {  	_ =	shalt  }
0x77: {  	_ =	shalt  }
0x78: {  	_ =	shalt  }
0x79: {  	_ =	shalt  }
0x7a: {  	_ =	shalt  }
0x7b: {  	_ =	shalt  }
0x7c: {  	_ =	shalt  }
0x7d: {  	_ =	shalt  }
0x7e: {  	_ =	shalt  }
0x7f: {  	_ =	shalt  }
0x80: {  	_ =	shalt  }
0x81: {  	_ =	shalt  }
0x82: {  	_ =	shalt  }
0x83: {  	_ =	shalt  }
0x84: {  	_ =	shalt  }
0x85: {  	_ =	shalt  }
0x86: {  	_ =	shalt  }
0x87: {  	_ =	shalt  }
.Lfunc_end0:
.L_simem_size_0:
called_computation.2_lowered:
.L_overlay_start_0:
0x88: {  	s2 =	sld [smem:$0x3FD9]  }
0x89: {  	s3 =	sld [smem:$0x3FFE];
	_ =	sdelay $0x1  }
0x8a: {  	s1 =	srdreg.scid  }
0x8b: {  	s0 =	sand.u32 $0x1, s1  }
0x8c: {  	s17 =	sshll.u32 s0, $0xA;
	s2 =	sadd.s32 s3, s2  }
0x8d: {  	s2 =	sadd.s32 s2, s17  }
0x8e: {  	[smem:$0x3FBA] =	sst s2  }
0x8f: {  	_ = 	snop  }
0x90: {  	s2 =	sld [smem:$0x3FD0];
	(tm) =	ssettm $0x1  }
0x91: {  	s18 =	sld [smem:$0x3FFB];
	_ =	sdelay $0x3  }
0x92: {  	_ =	strace s18  }
0x93: {  	s3 =	sld [smem:$0x3FFC];
	_ =	sdelay $0x3  }
0x94: {  	_ =	strace s3  }
0x95: {  	s3 =	sld [smem:$0x3FFD];
	_ =	sdelay $0x3  }
0x96: {  	_ =	strace s3  }
0x97: {  	_ =	strace $0x8FFFFFFF  }
0x98: {  	s19 =	sld [smem:$0x3FDB];
	_ =	sdelay $0x1  }
0x99: {  	s4 =	simm.s32 $_scs_section_size  }
0x9a: {  	s5 =	simm.s32 $_size__tile_overlayer_lowered;
	s6 =	simm.s32 $_tile_overlayer_lowered  }
0x9b: {  	s22 =	simm.s32 $0x1BFF;
	s21 =	sshll.u32 s6, $0x1;
	s3 =	sadd.s32 s4, s19  }
0x9c: {  	s7 =	simm.s32 $0x0;
	s20 =	sshll.u32 s5, $0x1;
	s5 =	sadd.s32 s21, s3  }
0x9d: {  	[timem:s7], [sflag:s22] =	dma.local [hbm:s5], s20  }
0x9e: {  	_ =	swait.ge [sflag:s22], s20  }
0x9f: {  	s4 =	ssub.s32 $0x0, s20;
	[sflag:s22] =	ssyncset.done $0x0  }
0xa0: {  	[sflag:s22] =	ssyncadd.s32 s4;
	_ =	sdelay $0x1  }
0xa1: {  	s23 =	simm.s32 $0x1B8B  }
0xa2: {  	_ =	swait.ge [sflag:s23], $0x1  }
0xa3: {  	[sflag:s23] =	ssyncset.done $0x0  }
0xa4: {  	s25 =	simm.s32 $0x1B8E;
	s24 =	sld [smem:$0x3FFE];
	[sflag:s23] =	ssyncadd.s32 $0xFFFFFFFF  }
0xa5: {  	s26 =	simm.s32 $execute0_lowered;
	[smem:$0x3FD2] =	sst s25  }
0xa6: {  	s5 =	sshll.u32 s26, $0x1;
	_ =	strace $0x8000004C;
	[dreg:$0x1] =	wrdreg $0xFFFFFFFF  }
0xa7: {  	s28 =	simm.s32 $_size_execute0_lowered;
	s3 =	sadd.s32 s3, s5;
	[dreg:$0x0] =	wrdreg $0x0  }
0xa8: {  	s5 =	sshll.u32 s28, $0x1;
	[dreg:$0x2] =	wrdreg s3  }
0xa9: {  	[dreg:$0x3] =	wrdreg s5  }
0xaa: {  	[dreg:$0x4] =	wrdreg $0xC0  }
0xab: {  	_ =	task [dreg:s7], $0x5FFFF  }
0xac: {  	[dreg:$0x1] =	wrdreg $0xFFFFFFFF  }
0xad: {  	[dreg:$0x0] =	wrdreg $0x60  }
0xae: {  	[dreg:$0x2] =	wrdreg s24  }
0xaf: {  	[dreg:$0x3] =	wrdreg s2  }
0xb0: {  	[dreg:$0x4] =	wrdreg $0xBC000  }
0xb1: {  	[dreg:$0x5] =	wrdreg $0x9  }
0xb2: {  	_ =	task.clear_ibuf [dreg:s7], $0x6FFFF;
	_ =	strace $0x9000004C  }
0xb3: {  	s29 =	simm.s32 $0x9;
	_ =	strace $0x8000004E  }
0xb4: {  	_ =	swait.ge [sflag:s29], $0x1  }
0xb5: {  	[sflag:s29] =	ssyncadd.s32 $0xFFFFFFFF  }
0xb6: {  	_ =	strace $0x9000004E  }
0xb7: {  	_ =	sfence  }
0xb8: {  	s30 =	sld [smem:$0x0];
	_ =	sdelay $0x2  }
0xb9: {  	s31 =	sshll.u32 s1, $0xD;
	s1 =	sshrl.u32 s1, $0x2  }
0xba: {  	s3 =	sand.u32 $0x4000, s31;
	s1 =	sadd.s32 s1, s30  }
0xbb: {  	s0 =	sor.u32 s3, s0;
	s1 =	sshll.u32 s1, $0x11  }
0xbc: {  	s0 =	sor.u32 s1, s0  }
0xbd: {  	s0 =	sadd.s32 $0x8F2B, s0  }
0xbe: {  	[sflag:s0] =	ssyncadd.remote.s32 $0x1  }
0xbf: {  	_ =	sfence.sel $0xFFFF  }
0xc0: {  	[dreg:$0x0] =	wrdreg $0xFFFFFFFF;
	(pc) =	sbr.abs _section_cstart, $3  }
0xc1: {  	[dreg:$0x1] =	wrdreg $0xFFFFFFFF  }
0xc2: {  	_ =	task.clear_ibuf [dreg:s7], $0x2FFFF;
	_ =	strace $0x9FFFFFFF  }
0xc3: {  	(tm) =	ssettm $0x7FFFFFFF  }
tec
execute0_lowered:
.L_overlay_start_1:
0x0: {  	(tag) =	ssettag $0x1  }
0x1: {  	s5 =	rddreg [dreg:$0x0]  }
0x2: {  	s7 =	rddreg [dreg:$0x1]  }
0x3: {  	s1 =	rddreg [dreg:$0x2]  }
0x4: {  	s0 =	rddreg [dreg:$0x3];
	s3 =	simm.s32 $0x0;
	s2 =	stileid.u32  }
0x5: {  	s6 =	srdreg.scid;
	s15 =	simm.s32 $0x5400;
	s16 =	simm.s32 $0x3  }
0x6: {  	s17 =	simm.s32 $0x8800;
	s18 =	simm.s32 $0x4;
	s21 =	simm.s32 $0x1  }
0x7: {  	[smem:$0x7FF] =	sst s3;
	s4 =	sadd.s32 $0x35E00, s5;
	s19 =	smul.u32 $0x2800, s2  }
0x8: {  	s11 =	sshll.u32 s2, $0xC;
	s6 =	sand.u32 $0x1, s6;
	s8 =	smul.u32 $0x50000, s2  }
0x9: {  	s30 =	sshll.u32 s2, $0x6;
	_ =	strace $0x8000004D;
	s9 =	sadd.s32 s11, s5  }
0xa: {  	s10 =	smul.u32 $0x28000, s6;
	s12 =	ssub.s32 $0x2, s6;
	s31 =	sshll.u32 s6, $0x10  }
0xb: {  	s6 =	sor.u32 $0x1C05, s30;
	s13 =	sadd.s32 s19, s5;
	s14 =	sshrl.u32 s12, $0x1  }
0xc: {  	s8 =	sshrl.u32 s8, $0x2;
	s10 =	sadd.s32 s10, s5;
	s12 =	ssub.s32 s12, s14  }
.Ltmp0:
0xd: {  	s29 =	sadd.s32 s8, s1;
	s5 =	sadd.s32 $0xDE00, s13;
	(pc) =	sbr.rel .LBB2_1-.Ltmp0, $4  }
0xe: {  	s13 =	sadd.s32 s7, s31;
	s7 =	sadd.s32 $0x85E00, s9;
	s14 =	simm.s32 $0x80  }
0xf: {  	s20 =	sadd.s32 $0x95E00, s10;
	s8 =	smax.u32 s12, $0x1;
	s9 =	sshrl.u32 s29, $0x3  }
0x10: {  	s10 =	simm.s32 $0x5;
	s11 =	sadd.s32 s11, s13;
	s12 =	simm.s32 $0x64  }
0x11: {  	s13 =	simm.s32 $0x2000;
	s19 =	sadd.s32 s19, s20;
	s20 =	simm.s32 $0x2  }
.LBB2_11:
0x12: {  	s3 =	sadd.s32 $0x1, s3  }
0x13: {  	p0 =	sne.s32 s3, s8  }
.Ltmp1:
0x14: {  	[bflag:$0x0] =	sbarrier.arrive $0xFFFF;
	(pc) =	sbr.rel @!p0 .LBB2_12-.Ltmp1, $4  }
0x15: {  	[hbm:s19], [sflag:s6] =	dma.local [spmem:s9], $0x2800  }
0x16: {  	_ =	swait.ge [sflag:s10], $0x2800  }
0x17: {  	[sflag:s10] =	ssyncset.done $0x0  }
0x18: {  	[sflag:s10] =	ssyncadd.s32 $0xFFFFD800  }
.LBB2_1:
0x19: {  	[spmem:s9], [sflag:s6] =	dma.local [hbm:s5], $0x2800  }
.Ltmp2:
0x1a: {  	_ =	swait.ge [sflag:s10], $0x2800;
	(pc) =	sbr.rel .LBB2_2-.Ltmp2, $4  }
0x1b: {  	[sflag:s10] =	ssyncset.done $0x0  }
0x1c: {  	[sflag:s10] =	ssyncadd.s32 $0xFFFFD800  }
0x1d: {  	[bflag:$0x0] =	sbarrier.arrive $0xFFFF  }
0x1e: {  	s22 =	simm.s32 $0x0  }
.LBB2_10:
0x1f: {  	s22 =	sadd.s32 $0x1, s22  }
0x20: {  	p0 =	sne.s32 s22, $0x8  }
.Ltmp3:
0x21: {  	_ = 	snop;
	(pc) =	sbr.rel @!p0 .LBB2_11-.Ltmp3, $4  }
0x22: {  	_ = 	snop  }
0x23: {  	_ =	swait.ge [sflag:s18], $0x3200  }
0x24: {  	[sflag:s18] =	ssyncset.done $0x0  }
0x25: {  	[sflag:s18] =	ssyncadd.s32 $0xFFFFCE00  }
.LBB2_2:
0x26: {  	s24 =	sshll.u32 s22, $0x9  }
0x27: {  	s23 =	simm.s32 $0x0;
	s25 =	sadd.s32 s24, s11  }
0x28: {  	[tilespmem:s23], [sflag:$0x5] =	stream.linear.gather [hbm4b:s25+s23], $0xC80, $0x38;
	[tilespmem:$0x1FC00] =	vst v63  }
0x29: {  	_ =	swait.ge [sflag:s10], $0xC80  }
0x2a: {  	[sflag:s10] =	ssyncset.done $0x0  }
0x2b: {  	s31 =	sadd.s32 s24, s7;
	s24 =	simm.s32 $0x1000;
	[sflag:s10] =	ssyncadd.s32 $0xFFFFF380  }
0x2c: {  	[tilespmem:s24], [sflag:$0x5] =	stream.linear.gather [hbm4b:s31+s23], $0xC80, $0x38;
	[tilespmem:$0x1FC00] =	vst v63  }
0x2d: {  	_ =	swait.ge [sflag:s10], $0xC80  }
.Ltmp4:
0x2e: {  	[sflag:s10] =	ssyncset.done $0x0;
	(pc) =	sbr.rel .LBB2_3-.Ltmp4, $4  }
0x2f: {  	[sflag:s10] =	ssyncadd.s32 $0xFFFFF380  }
0x30: {  	[tilespmem:s13], [sflag:$0x1] =	stream.indirect.gather [hbm4b:s4+s12], $0x80, s23, s12, $0xb8;
	[tilespmem:$0x1FC00] =	vst v63  }
0x31: {  	s25 =	simm.s32 $0x100  }
0x32: {  	[tilespmem:s15], [sflag:$0x2] =	stream.indirect.gather [hbm4b:s4+s12], $0x80, s14, s12, $0xb8;
	[tilespmem:$0x1FC00] =	vst v63  }
.LBB2_8:
0x33: {  	_ =	swait.ge [sflag:s16], $0x3200  }
0x34: {  	[sflag:s16] =	ssyncset.done $0x0  }
0x35: {  	[sflag:s16] =	ssyncadd.s32 $0xFFFFCE00  }
0x36: {  	[spmem:s1] =	stream.indirect.scatter.add.f32 [tilespmem:s17], [sflag:$0x4], $0x80, s24, s12, $0xb8;
	[tilespmem:$0x1FC00] =	vst v63  }
0x37: {  	_ =	swait.ge [sflag:s18], $0x3200  }
0x38: {  	p0 =	sgt.u32 s23, $0x16;
	[sflag:s18] =	ssyncset.done $0x0  }
0x39: {  	s26 =	simm.s32 @!p0 $0x64;
	s28 =	simm.s32 @!p0 $0x5400;
	[sflag:s18] =	ssyncadd.s32 $0xFFFFCE00  }
0x3a: {  	[tilespmem:s28], [sflag:$0x2] =	stream.indirect.gather @!p0 [hbm4b:s4+s26], $0x80, s25, s26, $0xb8;
	[tilespmem:$0x1FC00] =	vst v63  }
.LBB2_9:
0x3b: {  	s23 =	sadd.s32 $0x1, s23  }
0x3c: {  	p0 =	sne.s32 s23, $0x19  }
.Ltmp5:
0x3d: {  	_ = 	snop;
	(pc) =	sbr.rel @!p0 .LBB2_10-.Ltmp5, $2  }
0x3e: {  	_ =	sdelay $0x2  }
0x3f: {  	s25 =	sadd.s32 $0x80, s25;
	s24 =	sadd.s32 $0x80, s24  }
.LBB2_3:
0x40: {  	s26 =	smul.u32 $0xAB, s23;
	_ =	sdelay $0x1  }
0x41: {  	s26 =	sshrl.u32 s26, $0x9  }
0x42: {  	s26 =	sand.u32 $0x7F, s26  }
0x43: {  	s26 =	smul.u32 $0x3, s26;
	_ =	sdelay $0x1  }
0x44: {  	s26 =	ssub.s32 s23, s26  }
0x45: {  	s26 =	sand.u32 $0xFF, s26  }
0x46: {  	p0 =	seq.s32 s26, $0x2  }
.Ltmp6:
0x47: {  	_ = 	snop;
	(pc) =	sbr.rel @p0 .LBB2_8-.Ltmp6, $1  }
0x48: {  	_ =	sdelay $0x3  }
0x49: {  	p0 =	seq.s32 s26, $0x1  }
.Ltmp7:
0x4a: {  	_ = 	snop;
	(pc) =	sbr.rel @!p0 .LBB2_5-.Ltmp7, $1  }
0x4b: {  	_ =	sdelay $0x3  }
0x4c: {  	_ =	swait.ge [sflag:s20], $0x3200  }
0x4d: {  	[sflag:s20] =	ssyncset.done $0x0  }
0x4e: {  	[sflag:s20] =	ssyncadd.s32 $0xFFFFCE00  }
0x4f: {  	[spmem:s1] =	stream.indirect.scatter.add.f32 [tilespmem:s15], [sflag:$0x4], $0x80, s24, s12, $0xb8;
	[tilespmem:$0x1FC00] =	vst v63  }
.Ltmp8:
0x50: {  	_ = 	snop;
	(pc) =	sbr.rel .LBB2_9-.Ltmp8, $4  }
0x51: {  	_ =	swait.ge [sflag:s18], $0x3200  }
0x52: {  	p0 =	sgt.u32 s23, $0x16;
	[sflag:s18] =	ssyncset.done $0x0  }
0x53: {  	s26 =	simm.s32 @!p0 $0x64;
	s28 =	simm.s32 @!p0 $0x2000;
	[sflag:s18] =	ssyncadd.s32 $0xFFFFCE00  }
0x54: {  	[tilespmem:s28], [sflag:$0x1] =	stream.indirect.gather @!p0 [hbm4b:s4+s26], $0x80, s25, s26, $0xb8;
	[tilespmem:$0x1FC00] =	vst v63  }
.LBB2_5:
0x55: {  	p0 =	seq.s32 s23, $0x0  }
0x56: {  	_ =	swait.ge [sflag:s21], $0x3200;
	p1 =	sgt.u32 @!p0 s23, $0x16  }
0x57: {  	[sflag:s21] =	ssyncset.done $0x0;
	p1 =	por p0, !p1  }
.Ltmp9:
0x58: {  	s26 =	simm.s32 @!p0 $0x4;
	[sflag:s21] =	ssyncadd.s32 $0xFFFFCE00;
	(pc) =	sbr.rel @!p1 .LBB2_9-.Ltmp9, $4  }
0x59: {  	[spmem:s1] =	stream.indirect.scatter.add.f32 [tilespmem:s13], [sflag:$0x4], $0x80, s24, s12, $0xb8;
	[tilespmem:$0x1FC00] =	vst v63  }
0x5a: {  	_ =	swait.ge @!p0 [sflag:s26], $0x3200  }
0x5b: {  	[sflag:s26] =	ssyncset.done @!p0 $0x0  }
0x5c: {  	[sflag:s26] =	ssyncadd.s32 @!p0 $0xFFFFCE00  }
.Ltmp10:
0x5d: {  	(pc) =	sbr.rel .LBB2_9-.Ltmp10, $2  }
0x5e: {  	_ =	sdelay $0x2  }
0x5f: {  	[tilespmem:s17], [sflag:$0x3] =	stream.indirect.gather [hbm4b:s4+s12], $0x80, s25, s12, $0xb8;
	[tilespmem:$0x1FC00] =	vst v63  }
.LBB2_12:
0x60: {  	_ =	sfence.sel $0x180000  }
0x61: {  	[bflag:$0x0] =	sbarrier.arrive $0xFFFF  }
0x62: {  	p0 =	sne.s32 s2, $0x0;
	_ =	strace $0x9000004D  }
0x63: {  	s0 =	sadd.s32 @!p0 $0x100000, s0;
	[bflag:$0x2] =	sbarrier.arrive $0xFFFF  }
0x64: {  	[sflag:s0] =	ssyncadd.tile.s32 @!p0 $0x1;
	_ =	shalt  }
.Lfunc_end2:
_tile_overlayer_lowered:
.L_overlay_start_2:
0x65: {  	(tag) =	ssettag $0x2  }
0x66: {  	s0 =	rddreg [dreg:$0x0];
	s2 =	stileid.u32  }
0x67: {  	s1 =	rddreg [dreg:$0x1];
	p0 =	sne.s32 s2, $0x0  }
0x68: {  	s3 =	rddreg [dreg:$0x2];
	[bflag:$0x3] =	sbarrier.arrive $0xFFFF;
	s2 =	simm.s32 @!p0 $0x1C05  }
0x69: {  	[timem:s3], [sflag:s2] =	dma.local @!p0 [hbm:s0], s1  }
0x6a: {  	s0 =	simm.s32 @!p0 $0x5  }
0x6b: {  	_ =	swait.ge @!p0 [sflag:s0], s1  }
0x6c: {  	s1 =	ssub.s32 @!p0 $0x0, s1;
	[sflag:s0] =	ssyncset.done @!p0 $0x0  }
0x6d: {  	[sflag:s0] =	ssyncadd.s32 @!p0 s1  }
0x6e: {  	[bflag:$0x3] =	sbarrier.arrive $0xFFFF  }
0x6f: {  	_ =	shalt  }

// kernel: kernel.8.cloned.1.call-start
scs
__scs_entry_jumppad:
0x0: {  	(pc) =	sbr.rel $0x88, $3  }
0x1: {  	(tag) =	ssettag $0x0;
	lr =	simm.s32 $0x1  }
0x2: {  	[smem:$0x3F93] =	sst lr;
	_ =	strace $0xD0000000  }
0x3: {  	_ = 	snop  }
0x4: {  	_ = 	snop  }
0x5: {  	_ = 	snop  }
0x6: {  	_ = 	snop  }
0x7: {  	_ = 	snop  }
__scs_overlays_trampoline_lowered:
0x8: {  	[smem:$0x3FA2] =	sst s0  }
0x9: {  	[smem:$0x3FA3] =	sst s1  }
0xa: {  	[smem:$0x3FA4] =	sst s2  }
0xb: {  	[smem:$0x3FA5] =	sst s3  }
0xc: {  	[smem:$0x3FA6] =	sst s4  }
0xd: {  	[smem:$0x3FA7] =	sst s5  }
0xe: {  	[smem:$0x3FA8] =	sst s6  }
0xf: {  	[smem:$0x3FA9] =	sst s7  }
0x10: {  	[smem:$0x3FAA] =	sst s8  }
0x11: {  	[smem:$0x3FAB] =	sst s9;
	s0 =	simm.s32 @!p0 $0x0  }
0x12: {  	s1 =	sld [smem:$0x3F91];
	s0 =	simm.s32 @p0 $0x1  }
0x13: {  	[smem:$0x3FAC] =	sst s0;
	s0 =	simm.s32 @!p1 $0x0  }
0x14: {  	s2 =	sld [smem:$0x3F90];
	s0 =	simm.s32 @p1 $0x1  }
0x15: {  	[smem:$0x3FAD] =	sst s0;
	s0 =	simm.s32 @!p2 $0x0  }
0x16: {  	s3 =	sld [smem:$0x3FDB];
	s0 =	simm.s32 @p2 $0x1  }
0x17: {  	s4 =	simm.s32 $0x1BF5;
	[smem:$0x3FAF] =	sst s0  }
0x18: {  	s0 =	sld [smem:$0x3F92];
	_ =	swait.ge [sflag:s4], $0x0  }
0x19: {  	s7 =	sld [smem:$0x3F93]  }
0x1a: {  	s8 =	sadd.s32 $0xFFFFE003, lr  }
0x1b: {  	s9 =	sadd.s32 $0xFFFFFEF7, lr;
	s5 =	simm.s32 $0xFFFFFFFF;
	p2 =	slt.u32 s8, $0xFFFFF086  }
0x1c: {  	p1 =	slt.u32 s9, $0xF7A;
	s5 =	simm.s32 @!p2 $0x0  }
0x1d: {  	s5 =	simm.s32 @p1 $0x1;
	p0 =	seq.s32 s7, s2  }
0x1e: {  	s7 =	smul.u32 @!p0 $0xF7A, s2;
	p2 =	seq.s32 @!p0 s5, $0x0  }
0x1f: {  	s9 =	smul.u32 $0xF7A, s1;
	s8 =	simm.s32 @!p0 $0x1BF5;
	p2 =	por !p2, p0  }
0x20: {  	[sflag:s8] =	ssyncset.s32 @!p0 $0xFFFFF086;
	s6 =	sadd.s32 @!p0 s3, s7;
	s7 =	simm.s32 @!p0 $0x108  }
0x21: {  	s3 =	sadd.s32 s3, s9;
	s6 =	sadd.s32 @!p0 $0x88, s6;
	s7 =	simm.s32 @p2 $0x1082  }
0x22: {  	[simem:s7], [sflag:s8] =	dma.local @!p0 [hbm:s6], $0xF7A  }
0x23: {  	s9 =	sor.u32 $0xD0000000, s2;
	s6 =	simm.s32 $0x108;
	_ =	swait.ge @!p0 [sflag:s8], $0x0  }
0x24: {  	s3 =	sadd.s32 $0x88, s3;
	s6 =	simm.s32 @!p1 $0x1082;
	[sflag:s4] =	ssyncset.s32 $0xFFFFF086  }
0x25: {  	[simem:s6], [sflag:s4] =	dma.local [hbm:s3], $0xF7A  }
0x26: {  	[smem:$0x3F93] =	sst s1;
	(tag) =	ssettag s2;
	_ =	strace s9  }
0x27: {  	s1 =	sld [smem:$0x3FA3]  }
0x28: {  	s2 =	sld [smem:$0x3FA4]  }
0x29: {  	s4 =	sld [smem:$0x3FA6]  }
0x2a: {  	p0 =	seq.s32 s5, $0x0;
	s5 =	sld [smem:$0x3FA7]  }
0x2b: {  	s6 =	sld [smem:$0x3FA8]  }
0x2c: {  	s7 =	sld [smem:$0x3FA9]  }
0x2d: {  	s3 =	simm.s32 $0x108;
	s8 =	sld [smem:$0x3FAA]  }
0x2e: {  	s3 =	simm.s32 @!p0 $0x1082;
	s9 =	sld [smem:$0x3FAB]  }
0x2f: {  	lr =	sadd.s32 s0, s3;
	s0 =	sld [smem:$0x3FA2]  }
0x30: {  	s3 =	sld [smem:$0x3FA5]  }
0x31: {  	[smem:$0x3FAE] =	sst s10  }
0x32: {  	s10 =	sld [smem:$0x3FAC];
	_ =	sdelay $0x3  }
0x33: {  	p0 =	seq.s32 s10, $0x1;
	s10 =	sld [smem:$0x3FAE];
	_ =	sdelay $0x3  }
0x34: {  	[smem:$0x3FAE] =	sst s10  }
0x35: {  	s10 =	sld [smem:$0x3FAD];
	_ =	sdelay $0x3  }
0x36: {  	p1 =	seq.s32 s10, $0x1;
	s10 =	sld [smem:$0x3FAE];
	_ =	sdelay $0x3  }
0x37: {  	[smem:$0x3FAE] =	sst s10  }
0x38: {  	s10 =	sld [smem:$0x3FAF]  }
0x39: {  	_ = 	snop;
	(pc) =	sbr.ind lr, $3  }
0x3a: {  	_ = 	snop  }
0x3b: {  	_ = 	snop  }
0x3c: {  	p2 =	seq.s32 s10, $0x1;
	s10 =	sld [smem:$0x3FAE]  }
0x3d: {  	_ =	shalt  }
0x3e: {  	_ =	shalt  }
0x3f: {  	_ =	shalt  }
0x40: {  	_ =	shalt  }
0x41: {  	_ =	shalt  }
0x42: {  	_ =	shalt  }
0x43: {  	_ =	shalt  }
0x44: {  	_ =	shalt  }
0x45: {  	_ =	shalt  }
0x46: {  	_ =	shalt  }
0x47: {  	_ =	shalt  }
0x48: {  	_ =	shalt  }
0x49: {  	_ =	shalt  }
0x4a: {  	_ =	shalt  }
0x4b: {  	_ =	shalt  }
0x4c: {  	_ =	shalt  }
0x4d: {  	_ =	shalt  }
0x4e: {  	_ =	shalt  }
0x4f: {  	_ =	shalt  }
0x50: {  	_ =	shalt  }
0x51: {  	_ =	shalt  }
0x52: {  	_ =	shalt  }
0x53: {  	_ =	shalt  }
0x54: {  	_ =	shalt  }
0x55: {  	_ =	shalt  }
0x56: {  	_ =	shalt  }
0x57: {  	_ =	shalt  }
0x58: {  	_ =	shalt  }
0x59: {  	_ =	shalt  }
0x5a: {  	_ =	shalt  }
0x5b: {  	_ =	shalt  }
0x5c: {  	_ =	shalt  }
0x5d: {  	_ =	shalt  }
0x5e: {  	_ =	shalt  }
0x5f: {  	_ =	shalt  }
0x60: {  	_ =	shalt  }
0x61: {  	_ =	shalt  }
0x62: {  	_ =	shalt  }
0x63: {  	_ =	shalt  }
0x64: {  	_ =	shalt  }
0x65: {  	_ =	shalt  }
0x66: {  	_ =	shalt  }
0x67: {  	_ =	shalt  }
0x68: {  	_ =	shalt  }
0x69: {  	_ =	shalt  }
0x6a: {  	_ =	shalt  }
0x6b: {  	_ =	shalt  }
0x6c: {  	_ =	shalt  }
0x6d: {  	_ =	shalt  }
0x6e: {  	_ =	shalt  }
0x6f: {  	_ =	shalt  }
0x70: {  	_ =	shalt  }
0x71: {  	_ =	shalt  }
0x72: {  	_ =	shalt  }
0x73: {  	_ =	shalt  }
0x74: {  	_ =	shalt  }
0x75: {  	_ =	shalt  }
0x76: {  	_ =	shalt  }
0x77: {  	_ =	shalt  }
0x78: {  	_ =	shalt  }
0x79: {  	_ =	shalt  }
0x7a: {  	_ =	shalt  }
0x7b: {  	_ =	shalt  }
0x7c: {  	_ =	shalt  }
0x7d: {  	_ =	shalt  }
0x7e: {  	_ =	shalt  }
0x7f: {  	_ =	shalt  }
0x80: {  	_ =	shalt  }
0x81: {  	_ =	shalt  }
0x82: {  	_ =	shalt  }
0x83: {  	_ =	shalt  }
0x84: {  	_ =	shalt  }
0x85: {  	_ =	shalt  }
0x86: {  	_ =	shalt  }
0x87: {  	_ =	shalt  }
.Lfunc_end0:
.L_simem_size_0:
called_computation_lowered:
.L_overlay_start_0:
0x88: {  	s2 =	sld [smem:$0x3FD9]  }
0x89: {  	s3 =	sld [smem:$0x3FFE];
	_ =	sdelay $0x1  }
0x8a: {  	s1 =	srdreg.scid  }
0x8b: {  	s0 =	sand.u32 $0x1, s1  }
0x8c: {  	s16 =	sshll.u32 s0, $0xA;
	s2 =	sadd.s32 s3, s2  }
0x8d: {  	s2 =	sadd.s32 s2, s16  }
0x8e: {  	[smem:$0x3FBA] =	sst s2  }
0x8f: {  	_ = 	snop  }
0x90: {  	(tm) =	ssettm $0x1  }
0x91: {  	s17 =	sld [smem:$0x3FFB];
	_ =	sdelay $0x3  }
0x92: {  	_ =	strace s17  }
0x93: {  	s2 =	sld [smem:$0x3FFC];
	_ =	sdelay $0x3  }
0x94: {  	_ =	strace s2  }
0x95: {  	s2 =	sld [smem:$0x3FFD];
	_ =	sdelay $0x3  }
0x96: {  	_ =	strace s2  }
0x97: {  	_ =	strace $0x8FFFFFFF  }
0x98: {  	s18 =	sld [smem:$0x3FDB];
	_ =	sdelay $0x1  }
0x99: {  	s19 =	simm.s32 $_scs_section_size  }
0x9a: {  	s4 =	simm.s32 $_size__tile_overlayer_lowered;
	s5 =	simm.s32 $_tile_overlayer_lowered  }
0x9b: {  	s22 =	simm.s32 $0x1BFF;
	s21 =	sshll.u32 s5, $0x1;
	s2 =	sadd.s32 s19, s18  }
0x9c: {  	s6 =	simm.s32 $0x0;
	s20 =	sshll.u32 s4, $0x1;
	s4 =	sadd.s32 s21, s2  }
0x9d: {  	[timem:s6], [sflag:s22] =	dma.local [hbm:s4], s20  }
0x9e: {  	_ =	swait.ge [sflag:s22], s20  }
0x9f: {  	s3 =	ssub.s32 $0x0, s20;
	[sflag:s22] =	ssyncset.done $0x0  }
0xa0: {  	[sflag:s22] =	ssyncadd.s32 s3;
	_ =	sdelay $0x1  }
0xa1: {  	s23 =	simm.s32 $0x1B8B  }
0xa2: {  	_ =	swait.ge [sflag:s23], $0x1  }
0xa3: {  	[sflag:s23] =	ssyncset.done $0x0  }
0xa4: {  	s25 =	simm.s32 $0x1B8E;
	s24 =	sld [smem:$0x3FFE];
	[sflag:s23] =	ssyncadd.s32 $0xFFFFFFFF  }
0xa5: {  	s26 =	simm.s32 $execute0_lowered;
	[smem:$0x3FD2] =	sst s25  }
0xa6: {  	s4 =	sshll.u32 s26, $0x1;
	_ =	strace $0x80000046;
	[dreg:$0x1] =	wrdreg $0xFFFFFFFF  }
0xa7: {  	s28 =	simm.s32 $_size_execute0_lowered;
	s2 =	sadd.s32 s2, s4;
	[dreg:$0x0] =	wrdreg $0x0  }
0xa8: {  	s4 =	sshll.u32 s28, $0x1;
	[dreg:$0x2] =	wrdreg s2  }
0xa9: {  	[dreg:$0x3] =	wrdreg s4  }
0xaa: {  	[dreg:$0x4] =	wrdreg $0xC0  }
0xab: {  	_ =	task [dreg:s6], $0x5FFFF  }
0xac: {  	[dreg:$0x1] =	wrdreg $0xFFFFFFFF  }
0xad: {  	[dreg:$0x0] =	wrdreg $0x60  }
0xae: {  	[dreg:$0x2] =	wrdreg s24  }
0xaf: {  	[dreg:$0x3] =	wrdreg $0x68000  }
0xb0: {  	[dreg:$0x4] =	wrdreg $0x9  }
0xb1: {  	_ =	task.clear_ibuf [dreg:s6], $0x5FFFF;
	_ =	strace $0x90000046  }
0xb2: {  	s29 =	simm.s32 $0x9;
	_ =	strace $0x80000048  }
0xb3: {  	_ =	swait.ge [sflag:s29], $0x1  }
0xb4: {  	[sflag:s29] =	ssyncadd.s32 $0xFFFFFFFF  }
0xb5: {  	_ =	strace $0x90000048  }
0xb6: {  	_ =	sfence  }
0xb7: {  	s30 =	sld [smem:$0x0];
	_ =	sdelay $0x2  }
0xb8: {  	s31 =	sshll.u32 s1, $0xD;
	s1 =	sshrl.u32 s1, $0x2  }
0xb9: {  	s3 =	sand.u32 $0x4000, s31;
	s1 =	sadd.s32 s1, s30  }
0xba: {  	s0 =	sor.u32 s3, s0;
	s1 =	sshll.u32 s1, $0x11  }
0xbb: {  	s0 =	sor.u32 s1, s0  }
0xbc: {  	s0 =	sadd.s32 $0x8F2B, s0  }
0xbd: {  	[sflag:s0] =	ssyncadd.remote.s32 $0x1  }
0xbe: {  	_ =	sfence.sel $0xFFFF  }
0xbf: {  	[dreg:$0x0] =	wrdreg $0xFFFFFFFF;
	(pc) =	sbr.abs _section_cstart, $3  }
0xc0: {  	[dreg:$0x1] =	wrdreg $0xFFFFFFFF  }
0xc1: {  	_ =	task.clear_ibuf [dreg:s6], $0x2FFFF;
	_ =	strace $0x9FFFFFFF  }
0xc2: {  	(tm) =	ssettm $0x7FFFFFFF  }
0xc3: {  	_ =	shalt  }
tec
execute0_lowered:
.L_overlay_start_1:
0x0: {  	(tag) =	ssettag $0x1  }
0x1: {  	s2 =	srdreg.scid  }
0x2: {  	s5 =	rddreg [dreg:$0x0];
	s6 =	sand.u32 $0x1, s2  }
0x3: {  	s2 =	stileid.u32;
	s4 =	smul.u32 $0x5000, s6  }
0x4: {  	s1 =	rddreg [dreg:$0x1];
	s3 =	simm.s32 $0x0;
	s14 =	smul.u32 $0x2800, s2  }
0x5: {  	[smem:$0x7FF] =	sst s3;
	s8 =	smul.u32 $0x28000, s6  }
0x6: {  	s0 =	rddreg [dreg:$0x2];
	_ =	strace $0x80000047;
	s9 =	smul.u32 $0x50000, s2  }
0x7: {  	s6 =	ssub.s32 $0x2, s6;
	s31 =	sshll.u32 s2, $0x6;
	s13 =	smul.u32 $0x500, s2  }
0x8: {  	s29 =	sshrl.u32 s6, $0x1;
	s7 =	sadd.s32 s4, s5;
	s4 =	sadd.s32 $0xD600, s5  }
0x9: {  	s10 =	sadd.s32 s14, s5;
	s8 =	sadd.s32 s8, s5;
	s30 =	sshrl.u32 s9, $0x2  }
0xa: {  	s11 =	ssub.s32 s6, s29;
	s6 =	sor.u32 $0x1C02, s31;
	s9 =	sadd.s32 s30, s1  }
0xb: {  	s5 =	sadd.s32 $0xDE00, s10;
	s12 =	sadd.s32 $0x3600, s7;
	s15 =	sadd.s32 $0x35E00, s8  }
0xc: {  	s7 =	smax.u32 s11, $0x1;
	s10 =	simm.s32 $0x2800;
	s8 =	sshrl.u32 s9, $0x3  }
0xd: {  	s9 =	simm.s32 $0x2;
	s11 =	sadd.s32 s13, s12;
	s12 =	simm.s32 $0x7D  }
0xe: {  	s13 =	simm.s32 $0x1;
	s14 =	sadd.s32 s14, s15;
	s15 =	simm.s32 $0x0  }
.LBB2_1:
0xf: {  	[spmem:s8], [sflag:s6] =	dma.local [hbm:s5], $0x2800  }
0x10: {  	_ =	swait.ge [sflag:s9], $0x2800  }
0x11: {  	[sflag:s9] =	ssyncset.done $0x0  }
0x12: {  	[sflag:s9] =	ssyncadd.s32 $0xFFFFD800  }
0x13: {  	[tilespmem:s10], [sflag:$0x2] =	stream.linear.gather [hbm4b:s4+s3], $0x3E80, $0x38;
	[tilespmem:$0x1A800] =	vst v63  }
0x14: {  	_ =	swait.ge [sflag:s9], $0x3E80  }
0x15: {  	[sflag:s9] =	ssyncset.done $0x0  }
0x16: {  	[sflag:s9] =	ssyncadd.s32 $0xFFFFC180  }
0x17: {  	[tilespmem:s3], [sflag:$0x2] =	stream.linear.gather [hbm4b:s11+s3], $0x2800, $0x38;
	[tilespmem:$0x1A800] =	vst v63  }
0x18: {  	_ =	swait.ge [sflag:s9], $0x2800  }
0x19: {  	[sflag:s9] =	ssyncset.done $0x0  }
0x1a: {  	[sflag:s9] =	ssyncadd.s32 $0xFFFFD800  }
0x1b: {  	s16 =	simm.s32 $0x0;
	[bflag:$0x0] =	sbarrier.arrive $0xFFFF  }
0x1c: {  	[spmem:s1] =	stream.indirect.scatter.add.f32 [tilespmem:s10], [sflag:$0x1], $0x80, s16, s12, $0xb8;
	[tilespmem:$0x1A800] =	vst v63  }
0x1d: {  	s24 =	simm.s32 $0x80  }
0x1e: {  	[spmem:s1] =	stream.indirect.scatter.add.f32 [tilespmem:s10], [sflag:$0x1], $0x80, s24, s12, $0xb8;
	[tilespmem:$0x1A800] =	vst v63  }
0x1f: {  	s25 =	simm.s32 $0x100  }
0x20: {  	[spmem:s1] =	stream.indirect.scatter.add.f32 [tilespmem:s10], [sflag:$0x1], $0x80, s25, s12, $0xb8;
	[tilespmem:$0x1A800] =	vst v63  }
0x21: {  	s26 =	simm.s32 $0x180  }
0x22: {  	[spmem:s1] =	stream.indirect.scatter.add.f32 [tilespmem:s10], [sflag:$0x1], $0x80, s26, s12, $0xb8;
	[tilespmem:$0x1A800] =	vst v63  }
0x23: {  	s28 =	simm.s32 $0x200  }
0x24: {  	[spmem:s1] =	stream.indirect.scatter.add.f32 [tilespmem:s10], [sflag:$0x1], $0x80, s28, s12, $0xb8;
	[tilespmem:$0x1A800] =	vst v63  }
0x25: {  	s29 =	simm.s32 $0x280  }
0x26: {  	[spmem:s1] =	stream.indirect.scatter.add.f32 [tilespmem:s10], [sflag:$0x1], $0x80, s29, s12, $0xb8;
	[tilespmem:$0x1A800] =	vst v63  }
0x27: {  	s30 =	simm.s32 $0x300  }
0x28: {  	[spmem:s1] =	stream.indirect.scatter.add.f32 [tilespmem:s10], [sflag:$0x1], $0x80, s30, s12, $0xb8;
	[tilespmem:$0x1A800] =	vst v63  }
0x29: {  	s31 =	simm.s32 $0x380  }
0x2a: {  	[spmem:s1] =	stream.indirect.scatter.add.f32 [tilespmem:s10], [sflag:$0x1], $0x80, s31, s12, $0xb8;
	[tilespmem:$0x1A800] =	vst v63  }
0x2b: {  	_ =	swait.ge [sflag:s13], $0x3E80  }
0x2c: {  	[sflag:s13] =	ssyncset.done $0x0  }
0x2d: {  	[sflag:s13] =	ssyncadd.s32 $0xFFFFC180  }
0x2e: {  	_ =	swait.ge [sflag:s13], $0x3E80  }
0x2f: {  	[sflag:s13] =	ssyncset.done $0x0  }
0x30: {  	[sflag:s13] =	ssyncadd.s32 $0xFFFFC180  }
0x31: {  	_ =	swait.ge [sflag:s13], $0x3E80  }
0x32: {  	[sflag:s13] =	ssyncset.done $0x0  }
0x33: {  	[sflag:s13] =	ssyncadd.s32 $0xFFFFC180  }
0x34: {  	_ =	swait.ge [sflag:s13], $0x3E80  }
0x35: {  	[sflag:s13] =	ssyncset.done $0x0  }
0x36: {  	[sflag:s13] =	ssyncadd.s32 $0xFFFFC180  }
0x37: {  	_ =	swait.ge [sflag:s13], $0x3E80  }
0x38: {  	[sflag:s13] =	ssyncset.done $0x0  }
0x39: {  	[sflag:s13] =	ssyncadd.s32 $0xFFFFC180  }
0x3a: {  	_ =	swait.ge [sflag:s13], $0x3E80  }
0x3b: {  	[sflag:s13] =	ssyncset.done $0x0  }
0x3c: {  	[sflag:s13] =	ssyncadd.s32 $0xFFFFC180  }
0x3d: {  	_ =	swait.ge [sflag:s13], $0x3E80  }
0x3e: {  	[sflag:s13] =	ssyncset.done $0x0  }
0x3f: {  	[sflag:s13] =	ssyncadd.s32 $0xFFFFC180  }
0x40: {  	_ =	swait.ge [sflag:s13], $0x3E80  }
0x41: {  	s18 =	simm.s32 $0x2000;
	s16 =	simm.s32 $0x1000;
	[sflag:s13] =	ssyncset.done $0x0  }
.LBB2_2:
0x42: {  	s19 =	sshra.s32 s16, $0x2  }
0x43: {  	[sflag:s13] =	ssyncadd.s32 $0xFFFFC180;
	s16 =	smov.u32 s18;
	s17 =	sadd.s32 $0x1000, s18  }
0x44: {  	[spmem:s1] =	stream.indirect.scatter.add.f32 [tilespmem:s10], [sflag:$0x1], $0x80, s19, s12, $0xb8;
	[tilespmem:$0x1A800] =	vst v63  }
0x45: {  	p0 =	sne.s32 s18, $0x9000;
	s18 =	sadd.s32 $0x80, s19  }
0x46: {  	[spmem:s1] =	stream.indirect.scatter.add.f32 [tilespmem:s10], [sflag:$0x1], $0x80, s18, s12, $0xb8;
	[tilespmem:$0x1A800] =	vst v63  }
0x47: {  	s18 =	sadd.s32 $0x100, s19  }
0x48: {  	[spmem:s1] =	stream.indirect.scatter.add.f32 [tilespmem:s10], [sflag:$0x1], $0x80, s18, s12, $0xb8;
	[tilespmem:$0x1A800] =	vst v63  }
0x49: {  	s18 =	sadd.s32 $0x180, s19  }
0x4a: {  	[spmem:s1] =	stream.indirect.scatter.add.f32 [tilespmem:s10], [sflag:$0x1], $0x80, s18, s12, $0xb8;
	[tilespmem:$0x1A800] =	vst v63  }
0x4b: {  	s18 =	sadd.s32 $0x200, s19  }
0x4c: {  	[spmem:s1] =	stream.indirect.scatter.add.f32 [tilespmem:s10], [sflag:$0x1], $0x80, s18, s12, $0xb8;
	[tilespmem:$0x1A800] =	vst v63  }
0x4d: {  	s18 =	sadd.s32 $0x280, s19  }
0x4e: {  	[spmem:s1] =	stream.indirect.scatter.add.f32 [tilespmem:s10], [sflag:$0x1], $0x80, s18, s12, $0xb8;
	[tilespmem:$0x1A800] =	vst v63  }
0x4f: {  	s18 =	sadd.s32 $0x300, s19  }
0x50: {  	[spmem:s1] =	stream.indirect.scatter.add.f32 [tilespmem:s10], [sflag:$0x1], $0x80, s18, s12, $0xb8;
	[tilespmem:$0x1A800] =	vst v63  }
0x51: {  	s18 =	sadd.s32 $0x380, s19  }
0x52: {  	[spmem:s1] =	stream.indirect.scatter.add.f32 [tilespmem:s10], [sflag:$0x1], $0x80, s18, s12, $0xb8;
	[tilespmem:$0x1A800] =	vst v63  }
0x53: {  	_ =	swait.ge [sflag:s13], $0x3E80  }
0x54: {  	[sflag:s13] =	ssyncset.done $0x0  }
0x55: {  	[sflag:s13] =	ssyncadd.s32 $0xFFFFC180  }
0x56: {  	_ =	swait.ge [sflag:s13], $0x3E80  }
0x57: {  	[sflag:s13] =	ssyncset.done $0x0  }
0x58: {  	[sflag:s13] =	ssyncadd.s32 $0xFFFFC180  }
0x59: {  	_ =	swait.ge [sflag:s13], $0x3E80  }
0x5a: {  	[sflag:s13] =	ssyncset.done $0x0  }
0x5b: {  	[sflag:s13] =	ssyncadd.s32 $0xFFFFC180  }
0x5c: {  	_ =	swait.ge [sflag:s13], $0x3E80  }
0x5d: {  	[sflag:s13] =	ssyncset.done $0x0  }
0x5e: {  	[sflag:s13] =	ssyncadd.s32 $0xFFFFC180  }
0x5f: {  	_ =	swait.ge [sflag:s13], $0x3E80  }
0x60: {  	[sflag:s13] =	ssyncset.done $0x0  }
0x61: {  	[sflag:s13] =	ssyncadd.s32 $0xFFFFC180  }
0x62: {  	_ =	swait.ge [sflag:s13], $0x3E80  }
0x63: {  	[sflag:s13] =	ssyncset.done $0x0  }
0x64: {  	[sflag:s13] =	ssyncadd.s32 $0xFFFFC180  }
.Ltmp0:
0x65: {  	_ =	swait.ge [sflag:s13], $0x3E80;
	(pc) =	sbr.rel @p0 .LBB2_2-.Ltmp0, $4  }
0x66: {  	[sflag:s13] =	ssyncset.done $0x0  }
0x67: {  	[sflag:s13] =	ssyncadd.s32 $0xFFFFC180  }
0x68: {  	_ =	swait.ge [sflag:s13], $0x3E80  }
0x69: {  	s18 =	smov.u32 s17;
	[sflag:s13] =	ssyncset.done $0x0  }
0x6a: {  	s16 =	sshra.s32 s16, $0x2;
	[sflag:s13] =	ssyncadd.s32 $0xFFFFC180  }
0x6b: {  	[spmem:s1] =	stream.indirect.scatter.add.f32 [tilespmem:s10], [sflag:$0x1], $0x80, s16, s12, $0xb8;
	[tilespmem:$0x1A800] =	vst v63  }
0x6c: {  	s17 =	sadd.s32 $0x80, s16  }
0x6d: {  	[spmem:s1] =	stream.indirect.scatter.add.f32 [tilespmem:s10], [sflag:$0x1], $0x80, s17, s12, $0xb8;
	[tilespmem:$0x1A800] =	vst v63  }
0x6e: {  	s26 =	sadd.s32 $0x100, s16  }
0x6f: {  	[spmem:s1] =	stream.indirect.scatter.add.f32 [tilespmem:s10], [sflag:$0x1], $0x80, s26, s12, $0xb8;
	[tilespmem:$0x1A800] =	vst v63  }
0x70: {  	s28 =	sadd.s32 $0x180, s16  }
0x71: {  	[spmem:s1] =	stream.indirect.scatter.add.f32 [tilespmem:s10], [sflag:$0x1], $0x80, s28, s12, $0xb8;
	[tilespmem:$0x1A800] =	vst v63  }
0x72: {  	s29 =	sadd.s32 $0x200, s16  }
0x73: {  	[spmem:s1] =	stream.indirect.scatter.add.f32 [tilespmem:s10], [sflag:$0x1], $0x80, s29, s12, $0xb8;
	[tilespmem:$0x1A800] =	vst v63  }
0x74: {  	s30 =	sadd.s32 $0x280, s16  }
0x75: {  	[spmem:s1] =	stream.indirect.scatter.add.f32 [tilespmem:s10], [sflag:$0x1], $0x80, s30, s12, $0xb8;
	[tilespmem:$0x1A800] =	vst v63  }
0x76: {  	s31 =	sadd.s32 $0x300, s16  }
0x77: {  	[spmem:s1] =	stream.indirect.scatter.add.f32 [tilespmem:s10], [sflag:$0x1], $0x80, s31, s12, $0xb8;
	[tilespmem:$0x1A800] =	vst v63  }
0x78: {  	s16 =	sadd.s32 $0x380, s16  }
0x79: {  	[spmem:s1] =	stream.indirect.scatter.add.f32 [tilespmem:s10], [sflag:$0x1], $0x80, s16, s12, $0xb8;
	[tilespmem:$0x1A800] =	vst v63  }
0x7a: {  	_ =	swait.ge [sflag:s13], $0x3E80  }
0x7b: {  	[sflag:s13] =	ssyncset.done $0x0  }
0x7c: {  	[sflag:s13] =	ssyncadd.s32 $0xFFFFC180  }
0x7d: {  	_ =	swait.ge [sflag:s13], $0x3E80  }
0x7e: {  	[sflag:s13] =	ssyncset.done $0x0  }
0x7f: {  	[sflag:s13] =	ssyncadd.s32 $0xFFFFC180  }
0x80: {  	_ =	swait.ge [sflag:s13], $0x3E80  }
0x81: {  	[sflag:s13] =	ssyncset.done $0x0  }
0x82: {  	[sflag:s13] =	ssyncadd.s32 $0xFFFFC180  }
0x83: {  	_ =	swait.ge [sflag:s13], $0x3E80  }
0x84: {  	[sflag:s13] =	ssyncset.done $0x0  }
0x85: {  	[sflag:s13] =	ssyncadd.s32 $0xFFFFC180  }
0x86: {  	_ =	swait.ge [sflag:s13], $0x3E80  }
0x87: {  	[sflag:s13] =	ssyncset.done $0x0  }
0x88: {  	[sflag:s13] =	ssyncadd.s32 $0xFFFFC180  }
0x89: {  	_ =	swait.ge [sflag:s13], $0x3E80  }
0x8a: {  	[sflag:s13] =	ssyncset.done $0x0  }
0x8b: {  	[sflag:s13] =	ssyncadd.s32 $0xFFFFC180  }
0x8c: {  	_ =	swait.ge [sflag:s13], $0x3E80  }
0x8d: {  	[sflag:s13] =	ssyncset.done $0x0  }
0x8e: {  	[sflag:s13] =	ssyncadd.s32 $0xFFFFC180  }
0x8f: {  	_ =	swait.ge [sflag:s13], $0x3E80  }
0x90: {  	s15 =	sadd.s32 $0x1, s15;
	[sflag:s13] =	ssyncset.done $0x0  }
0x91: {  	p0 =	sne.s32 s15, s7;
	[sflag:s13] =	ssyncadd.s32 $0xFFFFC180  }
.Ltmp1:
0x92: {  	[bflag:$0x0] =	sbarrier.arrive $0xFFFF;
	(pc) =	sbr.rel @p0 .LBB2_1-.Ltmp1, $4  }
0x93: {  	[hbm:s14], [sflag:s6] =	dma.local [spmem:s8], $0x2800  }
0x94: {  	_ =	swait.ge [sflag:s9], $0x2800  }
0x95: {  	[sflag:s9] =	ssyncset.done $0x0  }
0x96: {  	[sflag:s9] =	ssyncadd.s32 $0xFFFFD800  }
0x97: {  	_ =	sfence.sel $0x180000  }
0x98: {  	[bflag:$0x0] =	sbarrier.arrive $0xFFFF  }
0x99: {  	p0 =	sne.s32 s2, $0x0;
	_ =	strace $0x90000047  }
0x9a: {  	s0 =	sadd.s32 @!p0 $0x100000, s0;
	[bflag:$0x2] =	sbarrier.arrive $0xFFFF  }
0x9b: {  	[sflag:s0] =	ssyncadd.tile.s32 @!p0 $0x1;
	_ =	shalt  }
.Lfunc_end2:
_tile_overlayer_lowered:
.L_overlay_start_2:
0x9c: {  	(tag) =	ssettag $0x2  }
0x9d: {  	s0 =	rddreg [dreg:$0x0];
	s2 =	stileid.u32  }
0x9e: {  	s1 =	rddreg [dreg:$0x1];
	p0 =	sne.s32 s2, $0x0  }
0x9f: {  	s3 =	rddreg [dreg:$0x2];
	[bflag:$0x3] =	sbarrier.arrive $0xFFFF;
	s2 =	simm.s32 @!p0 $0x1C02  }
0xa0: {  	[timem:s3], [sflag:s2] =	dma.local @!p0 [hbm:s0], s1  }
0xa1: {  	s0 =	simm.s32 @!p0 $0x2  }
0xa2: {  	_ =	swait.ge @!p0 [sflag:s0], s1  }
0xa3: {  	s1 =	ssub.s32 @!p0 $0x0, s1;
	[sflag:s0] =	ssyncset.done @!p0 $0x0  }
0xa4: {  	[sflag:s0] =	ssyncadd.s32 @!p0 s1  }
0xa5: {  	[bflag:$0x3] =	sbarrier.arrive $0xFFFF  }
0xa6: {  	_ =	shalt  }

</sc_bundles>
